<compile_context>
chip_gen: v7x
topology: tpu7x:2x2x1
jax: 0.10.2.dev20260603
libtpu: 0.0.44.dev20260713+nightly
codegen_flags: <defaults>
</compile_context>

<pallas_src>
import functools

import jax
import jax.numpy as jnp
import numpy as np
from jax import lax
from jax.experimental import pallas as pl
from jax.experimental.pallas import tpu as pltpu
from jax.experimental.pallas import tpu_sc as plsc

N_NODES = 10000
D = 128
NEG_SLOPE = 0.01

NC = 2
NS = 16
NW = NC * NS
C = 128
EC = 128

ACC_ROWS = 10240
ROWS_PER_TILE = ACC_ROWS // NS


def _sc_aggregate(feature, eix, nchunk):
    mesh = plsc.VectorSubcoreMesh(core_axis_name="c", subcore_axis_name="s")
    pairs = nchunk // 2

    @functools.partial(
        pl.kernel,
        mesh=mesh,
        out_type=jax.ShapeDtypeStruct((NC, ACC_ROWS, D), jnp.float32),
        scratch_types=[
            pltpu.VMEM((nchunk, C), jnp.int32),
            pltpu.VMEM((2, C), jnp.int32),
            pltpu.VMEM((C, D), jnp.float32),
            pltpu.VMEM((C, D), jnp.float32),
            pltpu.VMEM_SHARED((ACC_ROWS, D), jnp.float32),
            pltpu.SemaphoreType.DMA,
            pltpu.SemaphoreType.DMA,
            pltpu.SemaphoreType.DMA,
            pltpu.SemaphoreType.DMA,
        ],
    )
    def agg(feat_hbm, eix_hbm, out_hbm, src_v, dst_v, rows_a, rows_b,
            acc, sem_a, sem_b, sem_da, sem_db):
        cid = lax.axis_index("c")
        sid = lax.axis_index("s")
        wid = sid * NC + cid
        base = pl.multiple_of(nchunk * wid, 8)

        zero = jnp.zeros((16,), jnp.float32)

        def zrow(i, carry):
            for k8 in range(D // 16):
                rows_a[i, pl.ds(k8 * 16, 16)] = zero
            return carry

        with jax.named_scope("ph_zero"):
            lax.fori_loop(0, EC, zrow, 0)
            for z in range(ROWS_PER_TILE // EC):
                pltpu.sync_copy(rows_a.at[pl.ds(0, EC)],
                                acc.at[pl.ds(sid * ROWS_PER_TILE + z * EC, EC)])

        with jax.named_scope("ph_stage"):
            pltpu.sync_copy(eix_hbm.at[0].at[pl.ds(base, nchunk)], src_v)
            plsc.subcore_barrier()

        def fire_g(j, buf, sem):
            pltpu.async_copy(feat_hbm.at[src_v.at[j]], buf, sem)

        def drain_g(buf, sem):
            pltpu.make_async_copy(feat_hbm.at[src_v.at[0]], buf, sem).wait()

        def fire_d(j, p, sem):
            pltpu.async_copy(eix_hbm.at[1].at[base + j], dst_v.at[p], sem)

        def drain_d(sem):
            pltpu.make_async_copy(eix_hbm.at[1].at[0], dst_v.at[0], sem).wait()

        def scatter(p, rows):
            pltpu.sync_copy(rows, acc.at[dst_v.at[p]], add=True)

        def half(j, rows, sem, p, semd):
            drain_g(rows, sem)
            drain_d(semd)
            scatter(p, rows)

            @pl.when(j + 2 < nchunk)
            def _():
                fire_g(j + 2, rows, sem)
                fire_d(j + 2, p, semd)

        def body(i, carry):
            j = 2 * i
            half(j, rows_a, sem_a, 0, sem_da)
            half(j + 1, rows_b, sem_b, 1, sem_db)
            return carry

        with jax.named_scope("ph_loop"):
            fire_g(0, rows_a, sem_a)
            fire_g(1, rows_b, sem_b)
            fire_d(0, 0, sem_da)
            fire_d(1, 1, sem_db)
            lax.fori_loop(0, pairs, body, 0)
            plsc.subcore_barrier()

        with jax.named_scope("ph_export"):
            for z in range(ROWS_PER_TILE // EC):
                off = sid * ROWS_PER_TILE + z * EC
                pltpu.sync_copy(acc.at[pl.ds(off, EC)], rows_a.at[pl.ds(0, EC)])
                pltpu.sync_copy(rows_a.at[pl.ds(0, EC)],
                                out_hbm.at[cid].at[pl.ds(off, EC)])

    return agg(feature, eix)


def _tc_linear(partials, W, b2, n_nodes):
    BLK = 2000

    def mm(p_ref, w_ref, b_ref, o_ref):
        p = p_ref[0] + p_ref[1]
        y = lax.dot_general(p, w_ref[...], (((1,), (1,)), ((), ())),
                            preferred_element_type=jnp.float32)
        y = y + b_ref[...]
        o_ref[...] = jnp.where(y >= 0, y, NEG_SLOPE * y)

    return pl.pallas_call(
        mm,
        grid=(n_nodes // BLK,),
        in_specs=[
            pl.BlockSpec((2, BLK, D), lambda i: (0, i, 0)),
            pl.BlockSpec((D, D), lambda i: (0, 0)),
            pl.BlockSpec((1, D), lambda i: (0, 0)),
        ],
        out_specs=pl.BlockSpec((BLK, D), lambda i: (i, 0)),
        out_shape=jax.ShapeDtypeStruct((n_nodes, D), jnp.float32),
    )(partials, W, b2)


def kernel(feature, edge_index, W, b):
    n_edges = edge_index.shape[1]

    per_w = -(-n_edges // NW)
    nchunk = -(-per_w // C)
    nchunk += nchunk % 2
    pad = NW * nchunk * C - n_edges
    if pad:
        ar = np.arange(pad, dtype=np.int32)
        pad_const = jnp.asarray(
            np.stack([ar % N_NODES, N_NODES + ar % (ACC_ROWS - N_NODES)]))
        edge_index = jnp.concatenate([edge_index, pad_const], axis=1)
    eix = edge_index.reshape(2, NW * nchunk, C)

    partials = _sc_aggregate(feature, eix, nchunk)
    return _tc_linear(partials, W, b.reshape(1, D), feature.shape[0])

# --- scband reference (transcript-rebuilt; emitter-appended) ---
"""Pipeline reference for scband-gcnlayer-5549097746957 (READ-ONLY COPY).

The authoritative reference and input builder live on the scoring server;
editing this copy changes nothing except your own understanding.
"""

import jax, jax.numpy as jnp
import numpy as np

N_NODES = 10000
N_EDGES = 320000
D_IN = 128
D_OUT = 128
NEG_SLOPE = 0.01


def setup_inputs(seed: int = 0) -> dict:
    key = jax.random.key(seed)
    k1, k2, k3, k4 = jax.random.split(key, 4)
    feature = jax.random.normal(k1, (N_NODES, D_IN), dtype=jnp.float32)
    edge_index = jax.random.randint(k2, (2, N_EDGES), 0, N_NODES, dtype=jnp.int32)
    # Linear layer parameters (torch.nn.Linear: y = x @ W.T + b)
    bound = 1.0 / np.sqrt(D_IN)
    W = jax.random.uniform(k3, (D_OUT, D_IN), dtype=jnp.float32, minval=-bound, maxval=bound)
    b = jax.random.uniform(k4, (D_OUT,), dtype=jnp.float32, minval=-bound, maxval=bound)
    return {"feature": feature, "edge_index": edge_index, "W": W, "b": b}


def reference(feature, edge_index, W, b):
    # DGL update_all(fn.copy_u('h','m'), fn.sum('m','h')):
    # gather source-node features along each edge, scatter-add into destination nodes.
    src = edge_index[0]
    dst = edge_index[1]
    msg = jnp.take(feature, src, axis=0)                # gather  [E, D_IN]
    h = jax.ops.segment_sum(msg, dst, num_segments=N_NODES)  # scatter-add [N, D_IN]
    # Linear + LeakyReLU (act=True)
    out = h @ W.T + b
    out = jnp.where(out >= 0, out, NEG_SLOPE * out)
    return out

if __name__ == "__main__":
    import jax
    _d = setup_inputs()
    print(jax.jit(kernel)(*tuple(_d.values())))

</pallas_src>

<mosaic_0001>
#map = affine_map<(d0, d1) -> (0, 0)>
#map1 = affine_map<(d0, d1) -> (0, 0, 0)>
module attributes {stable_mosaic.version = 14 : i64} {
  func.func @agg(%arg0: i32, %arg1: i32, %arg2: memref<10000x128xf32, #tpu.memory_space<hbm>>, %arg3: memref<2x2560x128xi32, #tpu.memory_space<hbm>>, %arg4: memref<2x10240x128xf32, #tpu.memory_space<hbm>>, %arg5: memref<80x128xi32, #tpu.memory_space<vmem>>, %arg6: memref<2x128xi32, #tpu.memory_space<vmem>>, %arg7: memref<128x128xf32, #tpu.memory_space<vmem>>, %arg8: memref<128x128xf32, #tpu.memory_space<vmem>>, %arg9: memref<10240x128xf32, #tpu.memory_space<vmem_shared>>, %arg10: memref<!tpu.dma_semaphore, #tpu.memory_space<semaphore_mem>>, %arg11: memref<!tpu.dma_semaphore, #tpu.memory_space<semaphore_mem>>, %arg12: memref<!tpu.dma_semaphore, #tpu.memory_space<semaphore_mem>>, %arg13: memref<!tpu.dma_semaphore, #tpu.memory_space<semaphore_mem>>) attributes {dimension_semantics = [#tpu.dimension_semantics<core_parallel>, #tpu.dimension_semantics<subcore_parallel>], iteration_bounds = array<i64: 2, 16>, scalar_prefetch = 0 : i64, scratch_operands = 9 : i64, tpu.core_type = #tpu.core_type<sc_vector_subcore>, window_params = [{transform_indices = #map}, {transform_indices = #map1}, {transform_indices = #map1}]} {
    %mul3A = arith.constant 2 : i32
    %mul3A_0 = arith.muli %arg1, %mul3A : i32
    %add3A = arith.addi %mul3A_0, %arg0 : i32
    %mul3A_1 = arith.constant 80 : i32
    %mul3A_2 = arith.muli %mul3A_1, %add3A : i32
    %multiple_of3A = tpu.assume_multiple %mul3A_2, 8 : i32
    %broadcast_in_dim3A = arith.constant 0.000000e+00 : f32
    %broadcast_in_dim3A_3 = vector.broadcast %broadcast_in_dim3A : f32 to vector<16xf32>
    "tpu.trace_start"() <{level = 10 : i32, message = "ph_zero"}> : () -> ()
    %scan3A = arith.constant 0 : i32
    %scan3A_4 = arith.constant 0 : i32
    %scan3A_5 = arith.constant 128 : i32
    %scan3A_6 = arith.addi %scan3A_4, %scan3A_5 : i32
    %scan3A_7 = arith.constant 1 : i32
    scf.for %scan3A_117 = %scan3A_4 to %scan3A_6 step %scan3A_7  : i32 {
      %swap3A = arith.index_cast %scan3A_117 : i32 to index
      %swap3A_118 = arith.constant 0 : index
      %swap3A_119 = tpu.vector_load %arg7[%swap3A, %swap3A_118] {strides = array<i32>} : memref<128x128xf32, #tpu.memory_space<vmem>>, vector<1x16xf32>,
      %swap3A_120 = vector.shape_cast %swap3A_119 : vector<1x16xf32> to vector<16xf32>
      %swap3A_121 = vector.shape_cast %broadcast_in_dim3A_3 : vector<16xf32> to vector<1x16xf32>
      tpu.vector_store %arg7[%swap3A, %swap3A_118], %swap3A_121 {strides = array<i32>} : memref<128x128xf32, #tpu.memory_space<vmem>>, vector<1x16xf32>,
      %swap3A_122 = arith.index_cast %scan3A_117 : i32 to index
      %swap3A_123 = arith.constant 16 : index
      %swap3A_124 = tpu.vector_load %arg7[%swap3A_122, %swap3A_123] {strides = array<i32>} : memref<128x128xf32, #tpu.memory_space<vmem>>, vector<1x16xf32>,
      %swap3A_125 = vector.shape_cast %swap3A_124 : vector<1x16xf32> to vector<16xf32>
      %swap3A_126 = vector.shape_cast %broadcast_in_dim3A_3 : vector<16xf32> to vector<1x16xf32>
      tpu.vector_store %arg7[%swap3A_122, %swap3A_123], %swap3A_126 {strides = array<i32>} : memref<128x128xf32, #tpu.memory_space<vmem>>, vector<1x16xf32>,
      %swap3A_127 = arith.index_cast %scan3A_117 : i32 to index
      %swap3A_128 = arith.constant 32 : index
      %swap3A_129 = tpu.vector_load %arg7[%swap3A_127, %swap3A_128] {strides = array<i32>} : memref<128x128xf32, #tpu.memory_space<vmem>>, vector<1x16xf32>,
      %swap3A_130 = vector.shape_cast %swap3A_129 : vector<1x16xf32> to vector<16xf32>
      %swap3A_131 = vector.shape_cast %broadcast_in_dim3A_3 : vector<16xf32> to vector<1x16xf32>
      tpu.vector_store %arg7[%swap3A_127, %swap3A_128], %swap3A_131 {strides = array<i32>} : memref<128x128xf32, #tpu.memory_space<vmem>>, vector<1x16xf32>,
      %swap3A_132 = arith.index_cast %scan3A_117 : i32 to index
      %swap3A_133 = arith.constant 48 : index
      %swap3A_134 = tpu.vector_load %arg7[%swap3A_132, %swap3A_133] {strides = array<i32>} : memref<128x128xf32, #tpu.memory_space<vmem>>, vector<1x16xf32>,
      %swap3A_135 = vector.shape_cast %swap3A_134 : vector<1x16xf32> to vector<16xf32>
      %swap3A_136 = vector.shape_cast %broadcast_in_dim3A_3 : vector<16xf32> to vector<1x16xf32>
      tpu.vector_store %arg7[%swap3A_132, %swap3A_133], %swap3A_136 {strides = array<i32>} : memref<128x128xf32, #tpu.memory_space<vmem>>, vector<1x16xf32>,
      %swap3A_137 = arith.index_cast %scan3A_117 : i32 to index
      %swap3A_138 = arith.constant 64 : index
      %swap3A_139 = tpu.vector_load %arg7[%swap3A_137, %swap3A_138] {strides = array<i32>} : memref<128x128xf32, #tpu.memory_space<vmem>>, vector<1x16xf32>,
      %swap3A_140 = vector.shape_cast %swap3A_139 : vector<1x16xf32> to vector<16xf32>
      %swap3A_141 = vector.shape_cast %broadcast_in_dim3A_3 : vector<16xf32> to vector<1x16xf32>
      tpu.vector_store %arg7[%swap3A_137, %swap3A_138], %swap3A_141 {strides = array<i32>} : memref<128x128xf32, #tpu.memory_space<vmem>>, vector<1x16xf32>,
      %swap3A_142 = arith.index_cast %scan3A_117 : i32 to index
      %swap3A_143 = arith.constant 80 : index
      %swap3A_144 = tpu.vector_load %arg7[%swap3A_142, %swap3A_143] {strides = array<i32>} : memref<128x128xf32, #tpu.memory_space<vmem>>, vector<1x16xf32>,
      %swap3A_145 = vector.shape_cast %swap3A_144 : vector<1x16xf32> to vector<16xf32>
      %swap3A_146 = vector.shape_cast %broadcast_in_dim3A_3 : vector<16xf32> to vector<1x16xf32>
      tpu.vector_store %arg7[%swap3A_142, %swap3A_143], %swap3A_146 {strides = array<i32>} : memref<128x128xf32, #tpu.memory_space<vmem>>, vector<1x16xf32>,
      %swap3A_147 = arith.index_cast %scan3A_117 : i32 to index
      %swap3A_148 = arith.constant 96 : index
      %swap3A_149 = tpu.vector_load %arg7[%swap3A_147, %swap3A_148] {strides = array<i32>} : memref<128x128xf32, #tpu.memory_space<vmem>>, vector<1x16xf32>,
      %swap3A_150 = vector.shape_cast %swap3A_149 : vector<1x16xf32> to vector<16xf32>
      %swap3A_151 = vector.shape_cast %broadcast_in_dim3A_3 : vector<16xf32> to vector<1x16xf32>
      tpu.vector_store %arg7[%swap3A_147, %swap3A_148], %swap3A_151 {strides = array<i32>} : memref<128x128xf32, #tpu.memory_space<vmem>>, vector<1x16xf32>,
      %swap3A_152 = arith.index_cast %scan3A_117 : i32 to index
      %swap3A_153 = arith.constant 112 : index
      %swap3A_154 = tpu.vector_load %arg7[%swap3A_152, %swap3A_153] {strides = array<i32>} : memref<128x128xf32, #tpu.memory_space<vmem>>, vector<1x16xf32>,
      %swap3A_155 = vector.shape_cast %swap3A_154 : vector<1x16xf32> to vector<16xf32>
      %swap3A_156 = vector.shape_cast %broadcast_in_dim3A_3 : vector<16xf32> to vector<1x16xf32>
      tpu.vector_store %arg7[%swap3A_152, %swap3A_153], %swap3A_156 {strides = array<i32>} : memref<128x128xf32, #tpu.memory_space<vmem>>, vector<1x16xf32>,
    }
    %scan3A_8 = arith.constant 128 : i32
    %mul3A_9 = arith.constant 640 : i32
    %mul3A_10 = arith.muli %arg1, %mul3A_9 : i32
    %add3A_11 = arith.constant 0 : i32
    %add3A_12 = arith.addi %mul3A_10, %add3A_11 : i32
    "tpu.region"() ({
      %run_scoped3A_117 = tpu.sem_alloc : memref<!tpu.dma_semaphore, #tpu.memory_space<semaphore_mem>>
      %dma_start3A_118 = arith.constant 0 : i32
      %dma_start3A_119 = arith.constant 0 : i32
      %dma_start3A_120 = tpu.memref_slice %arg7[%dma_start3A_118, %dma_start3A_119] : memref<128x128xf32, #tpu.memory_space<vmem>> -> memref<128x128xf32, #tpu.memory_space<vmem>>
      %dma_start3A_121 = arith.constant 0 : i32
      %dma_start3A_122 = tpu.memref_slice %arg9[%add3A_12, %dma_start3A_121] : memref<10240x128xf32, #tpu.memory_space<vmem_shared>> -> memref<128x128xf32, #tpu.memory_space<vmem_shared>>
      %dma_start3A_123 = arith.constant 0 : i32
      %dma_start3A_124 = tpu.memref_slice %arg9[%add3A_12, %dma_start3A_123] : memref<10240x128xf32, #tpu.memory_space<vmem_shared>> -> memref<128x128xf32, #tpu.memory_space<vmem_shared>>
      %dma_start3A_125 = arith.constant 0 : i32
      %dma_start3A_126 = arith.constant 0 : i32
      %dma_start3A_127 = tpu.memref_slice %arg7[%dma_start3A_125, %dma_start3A_126] : memref<128x128xf32, #tpu.memory_space<vmem>> -> memref<128x128xf32, #tpu.memory_space<vmem>>
      tpu.enqueue_dma source(%dma_start3A_127 : memref<128x128xf32, #tpu.memory_space<vmem>>) target(%dma_start3A_124 : memref<128x128xf32, #tpu.memory_space<vmem_shared>>) target_semaphore(%run_scoped3A_117 : memref<!tpu.dma_semaphore, #tpu.memory_space<semaphore_mem>>)
      %dma_wait3A = arith.constant 0 : i32
      %dma_wait3A_128 = arith.constant 0 : i32
      %dma_wait3A_129 = tpu.memref_slice %arg7[%dma_wait3A, %dma_wait3A_128] : memref<128x128xf32, #tpu.memory_space<vmem>> -> memref<128x128xf32, #tpu.memory_space<vmem>>
      %dma_wait3A_130 = arith.constant 0 : i32
      %dma_wait3A_131 = tpu.memref_slice %arg9[%add3A_12, %dma_wait3A_130] : memref<10240x128xf32, #tpu.memory_space<vmem_shared>> -> memref<128x128xf32, #tpu.memory_space<vmem_shared>>
      %dma_wait3A_132 = arith.constant 0 : i32
      %dma_wait3A_133 = tpu.memref_slice %arg9[%add3A_12, %dma_wait3A_132] : memref<10240x128xf32, #tpu.memory_space<vmem_shared>> -> memref<128x128xf32, #tpu.memory_space<vmem_shared>>
      %dma_wait3A_134 = arith.constant 0 : i32
      %dma_wait3A_135 = arith.constant 0 : i32
      %dma_wait3A_136 = tpu.memref_slice %arg7[%dma_wait3A_134, %dma_wait3A_135] : memref<128x128xf32, #tpu.memory_space<vmem>> -> memref<128x128xf32, #tpu.memory_space<vmem>>
      tpu.wait_dma2 semaphore(%run_scoped3A_117 : memref<!tpu.dma_semaphore, #tpu.memory_space<semaphore_mem>>) src(%dma_wait3A_136 : memref<128x128xf32, #tpu.memory_space<vmem>>) dst(%dma_wait3A_133 : memref<128x128xf32, #tpu.memory_space<vmem_shared>>)
      tpu.yield
    }) : () -> ()
    %mul3A_13 = arith.constant 640 : i32
    %mul3A_14 = arith.muli %arg1, %mul3A_13 : i32
    %add3A_15 = arith.constant 128 : i32
    %add3A_16 = arith.addi %mul3A_14, %add3A_15 : i32
    "tpu.region"() ({
      %run_scoped3A_117 = tpu.sem_alloc : memref<!tpu.dma_semaphore, #tpu.memory_space<semaphore_mem>>
      %dma_start3A_118 = arith.constant 0 : i32
      %dma_start3A_119 = arith.constant 0 : i32
      %dma_start3A_120 = tpu.memref_slice %arg7[%dma_start3A_118, %dma_start3A_119] : memref<128x128xf32, #tpu.memory_space<vmem>> -> memref<128x128xf32, #tpu.memory_space<vmem>>
      %dma_start3A_121 = arith.constant 0 : i32
      %dma_start3A_122 = tpu.memref_slice %arg9[%add3A_16, %dma_start3A_121] : memref<10240x128xf32, #tpu.memory_space<vmem_shared>> -> memref<128x128xf32, #tpu.memory_space<vmem_shared>>
      %dma_start3A_123 = arith.constant 0 : i32
      %dma_start3A_124 = tpu.memref_slice %arg9[%add3A_16, %dma_start3A_123] : memref<10240x128xf32, #tpu.memory_space<vmem_shared>> -> memref<128x128xf32, #tpu.memory_space<vmem_shared>>
      %dma_start3A_125 = arith.constant 0 : i32
      %dma_start3A_126 = arith.constant 0 : i32
      %dma_start3A_127 = tpu.memref_slice %arg7[%dma_start3A_125, %dma_start3A_126] : memref<128x128xf32, #tpu.memory_space<vmem>> -> memref<128x128xf32, #tpu.memory_space<vmem>>
      tpu.enqueue_dma source(%dma_start3A_127 : memref<128x128xf32, #tpu.memory_space<vmem>>) target(%dma_start3A_124 : memref<128x128xf32, #tpu.memory_space<vmem_shared>>) target_semaphore(%run_scoped3A_117 : memref<!tpu.dma_semaphore, #tpu.memory_space<semaphore_mem>>)
      %dma_wait3A = arith.constant 0 : i32
      %dma_wait3A_128 = arith.constant 0 : i32
      %dma_wait3A_129 = tpu.memref_slice %arg7[%dma_wait3A, %dma_wait3A_128] : memref<128x128xf32, #tpu.memory_space<vmem>> -> memref<128x128xf32, #tpu.memory_space<vmem>>
      %dma_wait3A_130 = arith.constant 0 : i32
      %dma_wait3A_131 = tpu.memref_slice %arg9[%add3A_16, %dma_wait3A_130] : memref<10240x128xf32, #tpu.memory_space<vmem_shared>> -> memref<128x128xf32, #tpu.memory_space<vmem_shared>>
      %dma_wait3A_132 = arith.constant 0 : i32
      %dma_wait3A_133 = tpu.memref_slice %arg9[%add3A_16, %dma_wait3A_132] : memref<10240x128xf32, #tpu.memory_space<vmem_shared>> -> memref<128x128xf32, #tpu.memory_space<vmem_shared>>
      %dma_wait3A_134 = arith.constant 0 : i32
      %dma_wait3A_135 = arith.constant 0 : i32
      %dma_wait3A_136 = tpu.memref_slice %arg7[%dma_wait3A_134, %dma_wait3A_135] : memref<128x128xf32, #tpu.memory_space<vmem>> -> memref<128x128xf32, #tpu.memory_space<vmem>>
      tpu.wait_dma2 semaphore(%run_scoped3A_117 : memref<!tpu.dma_semaphore, #tpu.memory_space<semaphore_mem>>) src(%dma_wait3A_136 : memref<128x128xf32, #tpu.memory_space<vmem>>) dst(%dma_wait3A_133 : memref<128x128xf32, #tpu.memory_space<vmem_shared>>)
      tpu.yield
    }) : () -> ()
    %mul3A_17 = arith.constant 640 : i32
    %mul3A_18 = arith.muli %arg1, %mul3A_17 : i32
    %add3A_19 = arith.constant 256 : i32
    %add3A_20 = arith.addi %mul3A_18, %add3A_19 : i32
    "tpu.region"() ({
      %run_scoped3A_117 = tpu.sem_alloc : memref<!tpu.dma_semaphore, #tpu.memory_space<semaphore_mem>>
      %dma_start3A_118 = arith.constant 0 : i32
      %dma_start3A_119 = arith.constant 0 : i32
      %dma_start3A_120 = tpu.memref_slice %arg7[%dma_start3A_118, %dma_start3A_119] : memref<128x128xf32, #tpu.memory_space<vmem>> -> memref<128x128xf32, #tpu.memory_space<vmem>>
      %dma_start3A_121 = arith.constant 0 : i32
      %dma_start3A_122 = tpu.memref_slice %arg9[%add3A_20, %dma_start3A_121] : memref<10240x128xf32, #tpu.memory_space<vmem_shared>> -> memref<128x128xf32, #tpu.memory_space<vmem_shared>>
      %dma_start3A_123 = arith.constant 0 : i32
      %dma_start3A_124 = tpu.memref_slice %arg9[%add3A_20, %dma_start3A_123] : memref<10240x128xf32, #tpu.memory_space<vmem_shared>> -> memref<128x128xf32, #tpu.memory_space<vmem_shared>>
      %dma_start3A_125 = arith.constant 0 : i32
      %dma_start3A_126 = arith.constant 0 : i32
      %dma_start3A_127 = tpu.memref_slice %arg7[%dma_start3A_125, %dma_start3A_126] : memref<128x128xf32, #tpu.memory_space<vmem>> -> memref<128x128xf32, #tpu.memory_space<vmem>>
      tpu.enqueue_dma source(%dma_start3A_127 : memref<128x128xf32, #tpu.memory_space<vmem>>) target(%dma_start3A_124 : memref<128x128xf32, #tpu.memory_space<vmem_shared>>) target_semaphore(%run_scoped3A_117 : memref<!tpu.dma_semaphore, #tpu.memory_space<semaphore_mem>>)
      %dma_wait3A = arith.constant 0 : i32
      %dma_wait3A_128 = arith.constant 0 : i32
      %dma_wait3A_129 = tpu.memref_slice %arg7[%dma_wait3A, %dma_wait3A_128] : memref<128x128xf32, #tpu.memory_space<vmem>> -> memref<128x128xf32, #tpu.memory_space<vmem>>
      %dma_wait3A_130 = arith.constant 0 : i32
      %dma_wait3A_131 = tpu.memref_slice %arg9[%add3A_20, %dma_wait3A_130] : memref<10240x128xf32, #tpu.memory_space<vmem_shared>> -> memref<128x128xf32, #tpu.memory_space<vmem_shared>>
      %dma_wait3A_132 = arith.constant 0 : i32
      %dma_wait3A_133 = tpu.memref_slice %arg9[%add3A_20, %dma_wait3A_132] : memref<10240x128xf32, #tpu.memory_space<vmem_shared>> -> memref<128x128xf32, #tpu.memory_space<vmem_shared>>
      %dma_wait3A_134 = arith.constant 0 : i32
      %dma_wait3A_135 = arith.constant 0 : i32
      %dma_wait3A_136 = tpu.memref_slice %arg7[%dma_wait3A_134, %dma_wait3A_135] : memref<128x128xf32, #tpu.memory_space<vmem>> -> memref<128x128xf32, #tpu.memory_space<vmem>>
      tpu.wait_dma2 semaphore(%run_scoped3A_117 : memref<!tpu.dma_semaphore, #tpu.memory_space<semaphore_mem>>) src(%dma_wait3A_136 : memref<128x128xf32, #tpu.memory_space<vmem>>) dst(%dma_wait3A_133 : memref<128x128xf32, #tpu.memory_space<vmem_shared>>)
      tpu.yield
    }) : () -> ()
    %mul3A_21 = arith.constant 640 : i32
    %mul3A_22 = arith.muli %arg1, %mul3A_21 : i32
    %add3A_23 = arith.constant 384 : i32
    %add3A_24 = arith.addi %mul3A_22, %add3A_23 : i32
    "tpu.region"() ({
      %run_scoped3A_117 = tpu.sem_alloc : memref<!tpu.dma_semaphore, #tpu.memory_space<semaphore_mem>>
      %dma_start3A_118 = arith.constant 0 : i32
      %dma_start3A_119 = arith.constant 0 : i32
      %dma_start3A_120 = tpu.memref_slice %arg7[%dma_start3A_118, %dma_start3A_119] : memref<128x128xf32, #tpu.memory_space<vmem>> -> memref<128x128xf32, #tpu.memory_space<vmem>>
      %dma_start3A_121 = arith.constant 0 : i32
      %dma_start3A_122 = tpu.memref_slice %arg9[%add3A_24, %dma_start3A_121] : memref<10240x128xf32, #tpu.memory_space<vmem_shared>> -> memref<128x128xf32, #tpu.memory_space<vmem_shared>>
      %dma_start3A_123 = arith.constant 0 : i32
      %dma_start3A_124 = tpu.memref_slice %arg9[%add3A_24, %dma_start3A_123] : memref<10240x128xf32, #tpu.memory_space<vmem_shared>> -> memref<128x128xf32, #tpu.memory_space<vmem_shared>>
      %dma_start3A_125 = arith.constant 0 : i32
      %dma_start3A_126 = arith.constant 0 : i32
      %dma_start3A_127 = tpu.memref_slice %arg7[%dma_start3A_125, %dma_start3A_126] : memref<128x128xf32, #tpu.memory_space<vmem>> -> memref<128x128xf32, #tpu.memory_space<vmem>>
      tpu.enqueue_dma source(%dma_start3A_127 : memref<128x128xf32, #tpu.memory_space<vmem>>) target(%dma_start3A_124 : memref<128x128xf32, #tpu.memory_space<vmem_shared>>) target_semaphore(%run_scoped3A_117 : memref<!tpu.dma_semaphore, #tpu.memory_space<semaphore_mem>>)
      %dma_wait3A = arith.constant 0 : i32
      %dma_wait3A_128 = arith.constant 0 : i32
      %dma_wait3A_129 = tpu.memref_slice %arg7[%dma_wait3A, %dma_wait3A_128] : memref<128x128xf32, #tpu.memory_space<vmem>> -> memref<128x128xf32, #tpu.memory_space<vmem>>
      %dma_wait3A_130 = arith.constant 0 : i32
      %dma_wait3A_131 = tpu.memref_slice %arg9[%add3A_24, %dma_wait3A_130] : memref<10240x128xf32, #tpu.memory_space<vmem_shared>> -> memref<128x128xf32, #tpu.memory_space<vmem_shared>>
      %dma_wait3A_132 = arith.constant 0 : i32
      %dma_wait3A_133 = tpu.memref_slice %arg9[%add3A_24, %dma_wait3A_132] : memref<10240x128xf32, #tpu.memory_space<vmem_shared>> -> memref<128x128xf32, #tpu.memory_space<vmem_shared>>
      %dma_wait3A_134 = arith.constant 0 : i32
      %dma_wait3A_135 = arith.constant 0 : i32
      %dma_wait3A_136 = tpu.memref_slice %arg7[%dma_wait3A_134, %dma_wait3A_135] : memref<128x128xf32, #tpu.memory_space<vmem>> -> memref<128x128xf32, #tpu.memory_space<vmem>>
      tpu.wait_dma2 semaphore(%run_scoped3A_117 : memref<!tpu.dma_semaphore, #tpu.memory_space<semaphore_mem>>) src(%dma_wait3A_136 : memref<128x128xf32, #tpu.memory_space<vmem>>) dst(%dma_wait3A_133 : memref<128x128xf32, #tpu.memory_space<vmem_shared>>)
      tpu.yield
    }) : () -> ()
    %mul3A_25 = arith.constant 640 : i32
    %mul3A_26 = arith.muli %arg1, %mul3A_25 : i32
    %add3A_27 = arith.constant 512 : i32
    %add3A_28 = arith.addi %mul3A_26, %add3A_27 : i32
    "tpu.region"() ({
      %run_scoped3A_117 = tpu.sem_alloc : memref<!tpu.dma_semaphore, #tpu.memory_space<semaphore_mem>>
      %dma_start3A_118 = arith.constant 0 : i32
      %dma_start3A_119 = arith.constant 0 : i32
      %dma_start3A_120 = tpu.memref_slice %arg7[%dma_start3A_118, %dma_start3A_119] : memref<128x128xf32, #tpu.memory_space<vmem>> -> memref<128x128xf32, #tpu.memory_space<vmem>>
      %dma_start3A_121 = arith.constant 0 : i32
      %dma_start3A_122 = tpu.memref_slice %arg9[%add3A_28, %dma_start3A_121] : memref<10240x128xf32, #tpu.memory_space<vmem_shared>> -> memref<128x128xf32, #tpu.memory_space<vmem_shared>>
      %dma_start3A_123 = arith.constant 0 : i32
      %dma_start3A_124 = tpu.memref_slice %arg9[%add3A_28, %dma_start3A_123] : memref<10240x128xf32, #tpu.memory_space<vmem_shared>> -> memref<128x128xf32, #tpu.memory_space<vmem_shared>>
      %dma_start3A_125 = arith.constant 0 : i32
      %dma_start3A_126 = arith.constant 0 : i32
      %dma_start3A_127 = tpu.memref_slice %arg7[%dma_start3A_125, %dma_start3A_126] : memref<128x128xf32, #tpu.memory_space<vmem>> -> memref<128x128xf32, #tpu.memory_space<vmem>>
      tpu.enqueue_dma source(%dma_start3A_127 : memref<128x128xf32, #tpu.memory_space<vmem>>) target(%dma_start3A_124 : memref<128x128xf32, #tpu.memory_space<vmem_shared>>) target_semaphore(%run_scoped3A_117 : memref<!tpu.dma_semaphore, #tpu.memory_space<semaphore_mem>>)
      %dma_wait3A = arith.constant 0 : i32
      %dma_wait3A_128 = arith.constant 0 : i32
      %dma_wait3A_129 = tpu.memref_slice %arg7[%dma_wait3A, %dma_wait3A_128] : memref<128x128xf32, #tpu.memory_space<vmem>> -> memref<128x128xf32, #tpu.memory_space<vmem>>
      %dma_wait3A_130 = arith.constant 0 : i32
      %dma_wait3A_131 = tpu.memref_slice %arg9[%add3A_28, %dma_wait3A_130] : memref<10240x128xf32, #tpu.memory_space<vmem_shared>> -> memref<128x128xf32, #tpu.memory_space<vmem_shared>>
      %dma_wait3A_132 = arith.constant 0 : i32
      %dma_wait3A_133 = tpu.memref_slice %arg9[%add3A_28, %dma_wait3A_132] : memref<10240x128xf32, #tpu.memory_space<vmem_shared>> -> memref<128x128xf32, #tpu.memory_space<vmem_shared>>
      %dma_wait3A_134 = arith.constant 0 : i32
      %dma_wait3A_135 = arith.constant 0 : i32
      %dma_wait3A_136 = tpu.memref_slice %arg7[%dma_wait3A_134, %dma_wait3A_135] : memref<128x128xf32, #tpu.memory_space<vmem>> -> memref<128x128xf32, #tpu.memory_space<vmem>>
      tpu.wait_dma2 semaphore(%run_scoped3A_117 : memref<!tpu.dma_semaphore, #tpu.memory_space<semaphore_mem>>) src(%dma_wait3A_136 : memref<128x128xf32, #tpu.memory_space<vmem>>) dst(%dma_wait3A_133 : memref<128x128xf32, #tpu.memory_space<vmem_shared>>)
      tpu.yield
    }) : () -> ()
    %run_scoped3A = arith.constant 0 : i32
    "tpu.trace_stop"() : () -> ()
    "tpu.trace_start"() <{level = 10 : i32, message = "ph_stage"}> : () -> ()
    "tpu.region"() ({
      %run_scoped3A_117 = tpu.sem_alloc : memref<!tpu.dma_semaphore, #tpu.memory_space<semaphore_mem>>
      %dma_start3A_118 = arith.constant 0 : i32
      %dma_start3A_119 = arith.constant 0 : i32
      %dma_start3A_120 = tpu.memref_slice %arg3[%run_scoped3A, %dma_start3A_118, %dma_start3A_119] : memref<2x2560x128xi32, #tpu.memory_space<hbm>> -> memref<1x2560x128xi32, #tpu.memory_space<hbm>>
      %dma_start3A_121 = tpu.memref_squeeze %dma_start3A_120 : memref<1x2560x128xi32, #tpu.memory_space<hbm>> -> memref<2560x128xi32, #tpu.memory_space<hbm>>
      %dma_start3A_122 = arith.constant 0 : i32
      %dma_start3A_123 = tpu.memref_slice %dma_start3A_121[%multiple_of3A, %dma_start3A_122] : memref<2560x128xi32, #tpu.memory_space<hbm>> -> memref<80x128xi32, #tpu.memory_space<hbm>>
      %dma_start3A_124 = arith.constant 0 : i32
      %dma_start3A_125 = arith.constant 0 : i32
      %dma_start3A_126 = tpu.memref_slice %arg3[%run_scoped3A, %dma_start3A_124, %dma_start3A_125] : memref<2x2560x128xi32, #tpu.memory_space<hbm>> -> memref<1x2560x128xi32, #tpu.memory_space<hbm>>
      %dma_start3A_127 = tpu.memref_squeeze %dma_start3A_126 : memref<1x2560x128xi32, #tpu.memory_space<hbm>> -> memref<2560x128xi32, #tpu.memory_space<hbm>>
      %dma_start3A_128 = arith.constant 0 : i32
      %dma_start3A_129 = tpu.memref_slice %dma_start3A_127[%multiple_of3A, %dma_start3A_128] : memref<2560x128xi32, #tpu.memory_space<hbm>> -> memref<80x128xi32, #tpu.memory_space<hbm>>
      tpu.enqueue_dma source(%dma_start3A_129 : memref<80x128xi32, #tpu.memory_space<hbm>>) target(%arg5 : memref<80x128xi32, #tpu.memory_space<vmem>>) target_semaphore(%run_scoped3A_117 : memref<!tpu.dma_semaphore, #tpu.memory_space<semaphore_mem>>)
      %dma_wait3A = arith.constant 0 : i32
      %dma_wait3A_130 = arith.constant 0 : i32
      %dma_wait3A_131 = tpu.memref_slice %arg3[%run_scoped3A, %dma_wait3A, %dma_wait3A_130] : memref<2x2560x128xi32, #tpu.memory_space<hbm>> -> memref<1x2560x128xi32, #tpu.memory_space<hbm>>
      %dma_wait3A_132 = tpu.memref_squeeze %dma_wait3A_131 : memref<1x2560x128xi32, #tpu.memory_space<hbm>> -> memref<2560x128xi32, #tpu.memory_space<hbm>>
      %dma_wait3A_133 = arith.constant 0 : i32
      %dma_wait3A_134 = tpu.memref_slice %dma_wait3A_132[%multiple_of3A, %dma_wait3A_133] : memref<2560x128xi32, #tpu.memory_space<hbm>> -> memref<80x128xi32, #tpu.memory_space<hbm>>
      %dma_wait3A_135 = arith.constant 0 : i32
      %dma_wait3A_136 = arith.constant 0 : i32
      %dma_wait3A_137 = tpu.memref_slice %arg3[%run_scoped3A, %dma_wait3A_135, %dma_wait3A_136] : memref<2x2560x128xi32, #tpu.memory_space<hbm>> -> memref<1x2560x128xi32, #tpu.memory_space<hbm>>
      %dma_wait3A_138 = tpu.memref_squeeze %dma_wait3A_137 : memref<1x2560x128xi32, #tpu.memory_space<hbm>> -> memref<2560x128xi32, #tpu.memory_space<hbm>>
      %dma_wait3A_139 = arith.constant 0 : i32
      %dma_wait3A_140 = tpu.memref_slice %dma_wait3A_138[%multiple_of3A, %dma_wait3A_139] : memref<2560x128xi32, #tpu.memory_space<hbm>> -> memref<80x128xi32, #tpu.memory_space<hbm>>
      tpu.wait_dma2 semaphore(%run_scoped3A_117 : memref<!tpu.dma_semaphore, #tpu.memory_space<semaphore_mem>>) src(%dma_wait3A_140 : memref<80x128xi32, #tpu.memory_space<hbm>>) dst(%arg5 : memref<80x128xi32, #tpu.memory_space<vmem>>)
      tpu.yield
    }) : () -> ()
    %barrier3A = arith.constant 0 : index
    tpu.barrier barrier_id(%barrier3A)
    %dma_start3A = arith.constant 0 : i32
    "tpu.trace_stop"() : () -> ()
    "tpu.trace_start"() <{level = 10 : i32, message = "ph_loop"}> : () -> ()
    %dma_start3A_29 = arith.constant 0 : i32
    %dma_start3A_30 = tpu.memref_slice %arg5[%dma_start3A, %dma_start3A_29] : memref<80x128xi32, #tpu.memory_space<vmem>> -> memref<1x128xi32, #tpu.memory_space<vmem>>
    %dma_start3A_31 = tpu.memref_squeeze %dma_start3A_30 : memref<1x128xi32, #tpu.memory_space<vmem>> -> memref<128xi32, #tpu.memory_space<vmem>>
    %dma_start3A_32 = arith.constant 0 : i32
    %dma_start3A_33 = arith.constant 0 : i32
    %dma_start3A_34 = tpu.memref_slice %arg2[%dma_start3A_32, %dma_start3A_33] : memref<10000x128xf32, #tpu.memory_space<hbm>> -> memref<10000x128xf32, #tpu.memory_space<hbm>>
    tpu.enqueue_indirect_dma source(%dma_start3A_34 : memref<10000x128xf32, #tpu.memory_space<hbm>>) target(%arg7 : memref<128x128xf32, #tpu.memory_space<vmem>>) offsets(%dma_start3A_31 : memref<128xi32, #tpu.memory_space<vmem>>) semaphore(%arg10 : memref<!tpu.dma_semaphore, #tpu.memory_space<semaphore_mem>>)
    %dma_start3A_35 = arith.constant 1 : i32
    %dma_start3A_36 = arith.constant 0 : i32
    %dma_start3A_37 = tpu.memref_slice %arg5[%dma_start3A_35, %dma_start3A_36] : memref<80x128xi32, #tpu.memory_space<vmem>> -> memref<1x128xi32, #tpu.memory_space<vmem>>
    %dma_start3A_38 = tpu.memref_squeeze %dma_start3A_37 : memref<1x128xi32, #tpu.memory_space<vmem>> -> memref<128xi32, #tpu.memory_space<vmem>>
    %dma_start3A_39 = arith.constant 0 : i32
    %dma_start3A_40 = arith.constant 0 : i32
    %dma_start3A_41 = tpu.memref_slice %arg2[%dma_start3A_39, %dma_start3A_40] : memref<10000x128xf32, #tpu.memory_space<hbm>> -> memref<10000x128xf32, #tpu.memory_space<hbm>>
    tpu.enqueue_indirect_dma source(%dma_start3A_41 : memref<10000x128xf32, #tpu.memory_space<hbm>>) target(%arg8 : memref<128x128xf32, #tpu.memory_space<vmem>>) offsets(%dma_start3A_38 : memref<128xi32, #tpu.memory_space<vmem>>) semaphore(%arg11 : memref<!tpu.dma_semaphore, #tpu.memory_space<semaphore_mem>>)
    %add3A_42 = arith.constant 0 : i32
    %add3A_43 = arith.addi %multiple_of3A, %add3A_42 : i32
    %dma_start3A_44 = arith.constant 1 : i32
    %dma_start3A_45 = arith.constant 0 : i32
    %dma_start3A_46 = arith.constant 0 : i32
    %dma_start3A_47 = tpu.memref_slice %arg6[%dma_start3A_45, %dma_start3A_46] : memref<2x128xi32, #tpu.memory_space<vmem>> -> memref<1x128xi32, #tpu.memory_space<vmem>>
    %dma_start3A_48 = tpu.memref_squeeze %dma_start3A_47 : memref<1x128xi32, #tpu.memory_space<vmem>> -> memref<128xi32, #tpu.memory_space<vmem>>
    %dma_start3A_49 = arith.constant 0 : i32
    %dma_start3A_50 = arith.constant 0 : i32
    %dma_start3A_51 = tpu.memref_slice %arg3[%dma_start3A_44, %dma_start3A_49, %dma_start3A_50] : memref<2x2560x128xi32, #tpu.memory_space<hbm>> -> memref<1x2560x128xi32, #tpu.memory_space<hbm>>
    %dma_start3A_52 = tpu.memref_squeeze %dma_start3A_51 : memref<1x2560x128xi32, #tpu.memory_space<hbm>> -> memref<2560x128xi32, #tpu.memory_space<hbm>>
    %dma_start3A_53 = arith.constant 0 : i32
    %dma_start3A_54 = tpu.memref_slice %dma_start3A_52[%add3A_43, %dma_start3A_53] : memref<2560x128xi32, #tpu.memory_space<hbm>> -> memref<1x128xi32, #tpu.memory_space<hbm>>
    %dma_start3A_55 = tpu.memref_squeeze %dma_start3A_54 : memref<1x128xi32, #tpu.memory_space<hbm>> -> memref<128xi32, #tpu.memory_space<hbm>>
    %dma_start3A_56 = arith.constant 0 : i32
    %dma_start3A_57 = tpu.memref_slice %arg6[%dma_start3A_45, %dma_start3A_56] : memref<2x128xi32, #tpu.memory_space<vmem>> -> memref<1x128xi32, #tpu.memory_space<vmem>>
    %dma_start3A_58 = tpu.memref_squeeze %dma_start3A_57 : memref<1x128xi32, #tpu.memory_space<vmem>> -> memref<128xi32, #tpu.memory_space<vmem>>
    %dma_start3A_59 = arith.constant 0 : i32
    %dma_start3A_60 = arith.constant 0 : i32
    %dma_start3A_61 = tpu.memref_slice %arg3[%dma_start3A_44, %dma_start3A_59, %dma_start3A_60] : memref<2x2560x128xi32, #tpu.memory_space<hbm>> -> memref<1x2560x128xi32, #tpu.memory_space<hbm>>
    %dma_start3A_62 = tpu.memref_squeeze %dma_start3A_61 : memref<1x2560x128xi32, #tpu.memory_space<hbm>> -> memref<2560x128xi32, #tpu.memory_space<hbm>>
    %dma_start3A_63 = arith.constant 0 : i32
    %dma_start3A_64 = tpu.memref_slice %dma_start3A_62[%add3A_43, %dma_start3A_63] : memref<2560x128xi32, #tpu.memory_space<hbm>> -> memref<1x128xi32, #tpu.memory_space<hbm>>
    %dma_start3A_65 = tpu.memref_squeeze %dma_start3A_64 : memref<1x128xi32, #tpu.memory_space<hbm>> -> memref<128xi32, #tpu.memory_space<hbm>>
    tpu.enqueue_dma source(%dma_start3A_65 : memref<128xi32, #tpu.memory_space<hbm>>) target(%dma_start3A_58 : memref<128xi32, #tpu.memory_space<vmem>>) target_semaphore(%arg12 : memref<!tpu.dma_semaphore, #tpu.memory_space<semaphore_mem>>)
    %add3A_66 = arith.constant 1 : i32
    %add3A_67 = arith.addi %multiple_of3A, %add3A_66 : i32
    %dma_start3A_68 = arith.constant 1 : i32
    %dma_start3A_69 = arith.constant 1 : i32
    %dma_start3A_70 = arith.constant 0 : i32
    %dma_start3A_71 = tpu.memref_slice %arg6[%dma_start3A_69, %dma_start3A_70] : memref<2x128xi32, #tpu.memory_space<vmem>> -> memref<1x128xi32, #tpu.memory_space<vmem>>
    %dma_start3A_72 = tpu.memref_squeeze %dma_start3A_71 : memref<1x128xi32, #tpu.memory_space<vmem>> -> memref<128xi32, #tpu.memory_space<vmem>>
    %dma_start3A_73 = arith.constant 0 : i32
    %dma_start3A_74 = arith.constant 0 : i32
    %dma_start3A_75 = tpu.memref_slice %arg3[%dma_start3A_68, %dma_start3A_73, %dma_start3A_74] : memref<2x2560x128xi32, #tpu.memory_space<hbm>> -> memref<1x2560x128xi32, #tpu.memory_space<hbm>>
    %dma_start3A_76 = tpu.memref_squeeze %dma_start3A_75 : memref<1x2560x128xi32, #tpu.memory_space<hbm>> -> memref<2560x128xi32, #tpu.memory_space<hbm>>
    %dma_start3A_77 = arith.constant 0 : i32
    %dma_start3A_78 = tpu.memref_slice %dma_start3A_76[%add3A_67, %dma_start3A_77] : memref<2560x128xi32, #tpu.memory_space<hbm>> -> memref<1x128xi32, #tpu.memory_space<hbm>>
    %dma_start3A_79 = tpu.memref_squeeze %dma_start3A_78 : memref<1x128xi32, #tpu.memory_space<hbm>> -> memref<128xi32, #tpu.memory_space<hbm>>
    %dma_start3A_80 = arith.constant 0 : i32
    %dma_start3A_81 = tpu.memref_slice %arg6[%dma_start3A_69, %dma_start3A_80] : memref<2x128xi32, #tpu.memory_space<vmem>> -> memref<1x128xi32, #tpu.memory_space<vmem>>
    %dma_start3A_82 = tpu.memref_squeeze %dma_start3A_81 : memref<1x128xi32, #tpu.memory_space<vmem>> -> memref<128xi32, #tpu.memory_space<vmem>>
    %dma_start3A_83 = arith.constant 0 : i32
    %dma_start3A_84 = arith.constant 0 : i32
    %dma_start3A_85 = tpu.memref_slice %arg3[%dma_start3A_68, %dma_start3A_83, %dma_start3A_84] : memref<2x2560x128xi32, #tpu.memory_space<hbm>> -> memref<1x2560x128xi32, #tpu.memory_space<hbm>>
    %dma_start3A_86 = tpu.memref_squeeze %dma_start3A_85 : memref<1x2560x128xi32, #tpu.memory_space<hbm>> -> memref<2560x128xi32, #tpu.memory_space<hbm>>
    %dma_start3A_87 = arith.constant 0 : i32
    %dma_start3A_88 = tpu.memref_slice %dma_start3A_86[%add3A_67, %dma_start3A_87] : memref<2560x128xi32, #tpu.memory_space<hbm>> -> memref<1x128xi32, #tpu.memory_space<hbm>>
    %dma_start3A_89 = tpu.memref_squeeze %dma_start3A_88 : memref<1x128xi32, #tpu.memory_space<hbm>> -> memref<128xi32, #tpu.memory_space<hbm>>
    tpu.enqueue_dma source(%dma_start3A_89 : memref<128xi32, #tpu.memory_space<hbm>>) target(%dma_start3A_82 : memref<128xi32, #tpu.memory_space<vmem>>) target_semaphore(%arg13 : memref<!tpu.dma_semaphore, #tpu.memory_space<semaphore_mem>>)
    %scan3A_90 = arith.constant 0 : i32
    %scan3A_91 = arith.constant 0 : i32
    %scan3A_92 = arith.constant 40 : i32
    %scan3A_93 = arith.addi %scan3A_91, %scan3A_92 : i32
    %scan3A_94 = arith.constant 1 : i32
    scf.for %scan3A_117 = %scan3A_91 to %scan3A_93 step %scan3A_94  : i32 {
      %mul3A_118 = arith.constant 2 : i32
      %mul3A_119 = arith.muli %mul3A_118, %scan3A_117 : i32
      %dma_wait3A = arith.constant 0 : i32
      %dma_wait3A_120 = arith.constant 0 : i32
      %dma_wait3A_121 = tpu.memref_slice %arg5[%dma_wait3A, %dma_wait3A_120] : memref<80x128xi32, #tpu.memory_space<vmem>> -> memref<1x128xi32, #tpu.memory_space<vmem>>
      %dma_wait3A_122 = tpu.memref_squeeze %dma_wait3A_121 : memref<1x128xi32, #tpu.memory_space<vmem>> -> memref<128xi32, #tpu.memory_space<vmem>>
      %dma_wait3A_123 = arith.constant 0 : i32
      %dma_wait3A_124 = arith.constant 0 : i32
      %dma_wait3A_125 = tpu.memref_slice %arg2[%dma_wait3A_123, %dma_wait3A_124] : memref<10000x128xf32, #tpu.memory_space<hbm>> -> memref<10000x128xf32, #tpu.memory_space<hbm>>
      tpu.wait_indirect_dma semaphore(%arg10 : memref<!tpu.dma_semaphore, #tpu.memory_space<semaphore_mem>>) src(%dma_wait3A_125 : memref<10000x128xf32, #tpu.memory_space<hbm>>) dst(%arg7 : memref<128x128xf32, #tpu.memory_space<vmem>>)
      %dma_wait3A_126 = arith.constant 1 : i32
      %dma_wait3A_127 = arith.constant 0 : i32
      %dma_wait3A_128 = arith.constant 0 : i32
      %dma_wait3A_129 = arith.constant 0 : i32
      %dma_wait3A_130 = tpu.memref_slice %arg6[%dma_wait3A_128, %dma_wait3A_129] : memref<2x128xi32, #tpu.memory_space<vmem>> -> memref<1x128xi32, #tpu.memory_space<vmem>>
      %dma_wait3A_131 = tpu.memref_squeeze %dma_wait3A_130 : memref<1x128xi32, #tpu.memory_space<vmem>> -> memref<128xi32, #tpu.memory_space<vmem>>
      %dma_wait3A_132 = arith.constant 0 : i32
      %dma_wait3A_133 = arith.constant 0 : i32
      %dma_wait3A_134 = tpu.memref_slice %arg3[%dma_wait3A_126, %dma_wait3A_132, %dma_wait3A_133] : memref<2x2560x128xi32, #tpu.memory_space<hbm>> -> memref<1x2560x128xi32, #tpu.memory_space<hbm>>
      %dma_wait3A_135 = tpu.memref_squeeze %dma_wait3A_134 : memref<1x2560x128xi32, #tpu.memory_space<hbm>> -> memref<2560x128xi32, #tpu.memory_space<hbm>>
      %dma_wait3A_136 = arith.constant 0 : i32
      %dma_wait3A_137 = tpu.memref_slice %dma_wait3A_135[%dma_wait3A_127, %dma_wait3A_136] : memref<2560x128xi32, #tpu.memory_space<hbm>> -> memref<1x128xi32, #tpu.memory_space<hbm>>
      %dma_wait3A_138 = tpu.memref_squeeze %dma_wait3A_137 : memref<1x128xi32, #tpu.memory_space<hbm>> -> memref<128xi32, #tpu.memory_space<hbm>>
      %dma_wait3A_139 = arith.constant 0 : i32
      %dma_wait3A_140 = tpu.memref_slice %arg6[%dma_wait3A_128, %dma_wait3A_139] : memref<2x128xi32, #tpu.memory_space<vmem>> -> memref<1x128xi32, #tpu.memory_space<vmem>>
      %dma_wait3A_141 = tpu.memref_squeeze %dma_wait3A_140 : memref<1x128xi32, #tpu.memory_space<vmem>> -> memref<128xi32, #tpu.memory_space<vmem>>
      %dma_wait3A_142 = arith.constant 0 : i32
      %dma_wait3A_143 = arith.constant 0 : i32
      %dma_wait3A_144 = tpu.memref_slice %arg3[%dma_wait3A_126, %dma_wait3A_142, %dma_wait3A_143] : memref<2x2560x128xi32, #tpu.memory_space<hbm>> -> memref<1x2560x128xi32, #tpu.memory_space<hbm>>
      %dma_wait3A_145 = tpu.memref_squeeze %dma_wait3A_144 : memref<1x2560x128xi32, #tpu.memory_space<hbm>> -> memref<2560x128xi32, #tpu.memory_space<hbm>>
      %dma_wait3A_146 = arith.constant 0 : i32
      %dma_wait3A_147 = tpu.memref_slice %dma_wait3A_145[%dma_wait3A_127, %dma_wait3A_146] : memref<2560x128xi32, #tpu.memory_space<hbm>> -> memref<1x128xi32, #tpu.memory_space<hbm>>
      %dma_wait3A_148 = tpu.memref_squeeze %dma_wait3A_147 : memref<1x128xi32, #tpu.memory_space<hbm>> -> memref<128xi32, #tpu.memory_space<hbm>>
      tpu.wait_dma2 semaphore(%arg12 : memref<!tpu.dma_semaphore, #tpu.memory_space<semaphore_mem>>) src(%dma_wait3A_148 : memref<128xi32, #tpu.memory_space<hbm>>) dst(%dma_wait3A_141 : memref<128xi32, #tpu.memory_space<vmem>>)
      %run_scoped3A_149 = arith.constant 0 : i32
      "tpu.region"() ({
        %run_scoped3A_194 = tpu.sem_alloc : memref<!tpu.dma_semaphore, #tpu.memory_space<semaphore_mem>>
        %dma_start3A_195 = arith.constant 0 : i32
        %dma_start3A_196 = tpu.memref_slice %arg6[%run_scoped3A_149, %dma_start3A_195] : memref<2x128xi32, #tpu.memory_space<vmem>> -> memref<1x128xi32, #tpu.memory_space<vmem>>
        %dma_start3A_197 = tpu.memref_squeeze %dma_start3A_196 : memref<1x128xi32, #tpu.memory_space<vmem>> -> memref<128xi32, #tpu.memory_space<vmem>>
        %dma_start3A_198 = arith.constant 0 : i32
        %dma_start3A_199 = arith.constant 0 : i32
        %dma_start3A_200 = tpu.memref_slice %arg9[%dma_start3A_198, %dma_start3A_199] : memref<10240x128xf32, #tpu.memory_space<vmem_shared>> -> memref<10240x128xf32, #tpu.memory_space<vmem_shared>>
        tpu.enqueue_indirect_dma source(%arg7 : memref<128x128xf32, #tpu.memory_space<vmem>>) target(%dma_start3A_200 : memref<10240x128xf32, #tpu.memory_space<vmem_shared>>) offsets(%dma_start3A_197 : memref<128xi32, #tpu.memory_space<vmem>>) semaphore(%run_scoped3A_194 : memref<!tpu.dma_semaphore, #tpu.memory_space<semaphore_mem>>) {add = true}
        %dma_wait3A_201 = arith.constant 0 : i32
        %dma_wait3A_202 = tpu.memref_slice %arg6[%run_scoped3A_149, %dma_wait3A_201] : memref<2x128xi32, #tpu.memory_space<vmem>> -> memref<1x128xi32, #tpu.memory_space<vmem>>
        %dma_wait3A_203 = tpu.memref_squeeze %dma_wait3A_202 : memref<1x128xi32, #tpu.memory_space<vmem>> -> memref<128xi32, #tpu.memory_space<vmem>>
        %dma_wait3A_204 = arith.constant 0 : i32
        %dma_wait3A_205 = arith.constant 0 : i32
        %dma_wait3A_206 = tpu.memref_slice %arg9[%dma_wait3A_204, %dma_wait3A_205] : memref<10240x128xf32, #tpu.memory_space<vmem_shared>> -> memref<10240x128xf32, #tpu.memory_space<vmem_shared>>
        tpu.wait_indirect_dma semaphore(%run_scoped3A_194 : memref<!tpu.dma_semaphore, #tpu.memory_space<semaphore_mem>>) src(%arg7 : memref<128x128xf32, #tpu.memory_space<vmem>>) dst(%dma_wait3A_206 : memref<10240x128xf32, #tpu.memory_space<vmem_shared>>)
        tpu.yield
      }) : () -> ()
      %add3A_150 = arith.constant 2 : i32
      %add3A_151 = arith.addi %mul3A_119, %add3A_150 : i32
      %lt3A = arith.constant 80 : i32
      %lt3A_152 = arith.cmpi slt, %add3A_151, %lt3A : i32
      %convert_element_type3A = arith.extui %lt3A_152 : i1 to i32
      %cond3A = arith.constant 0 : i32
      %cond3A_153 = arith.cmpi ne, %convert_element_type3A, %cond3A : i32
      scf.if %cond3A_153 {
        %add3A_194 = arith.constant 2 : i32
        %add3A_195 = arith.addi %mul3A_119, %add3A_194 : i32
        %dma_start3A_196 = arith.constant 0 : i32
        %dma_start3A_197 = tpu.memref_slice %arg5[%add3A_195, %dma_start3A_196] : memref<80x128xi32, #tpu.memory_space<vmem>> -> memref<1x128xi32, #tpu.memory_space<vmem>>
        %dma_start3A_198 = tpu.memref_squeeze %dma_start3A_197 : memref<1x128xi32, #tpu.memory_space<vmem>> -> memref<128xi32, #tpu.memory_space<vmem>>
        %dma_start3A_199 = arith.constant 0 : i32
        %dma_start3A_200 = arith.constant 0 : i32
        %dma_start3A_201 = tpu.memref_slice %arg2[%dma_start3A_199, %dma_start3A_200] : memref<10000x128xf32, #tpu.memory_space<hbm>> -> memref<10000x128xf32, #tpu.memory_space<hbm>>
        tpu.enqueue_indirect_dma source(%dma_start3A_201 : memref<10000x128xf32, #tpu.memory_space<hbm>>) target(%arg7 : memref<128x128xf32, #tpu.memory_space<vmem>>) offsets(%dma_start3A_198 : memref<128xi32, #tpu.memory_space<vmem>>) semaphore(%arg10 : memref<!tpu.dma_semaphore, #tpu.memory_space<semaphore_mem>>)
        %add3A_202 = arith.constant 2 : i32
        %add3A_203 = arith.addi %mul3A_119, %add3A_202 : i32
        %add3A_204 = arith.addi %multiple_of3A, %add3A_203 : i32
        %dma_start3A_205 = arith.constant 1 : i32
        %dma_start3A_206 = arith.constant 0 : i32
        %dma_start3A_207 = arith.constant 0 : i32
        %dma_start3A_208 = tpu.memref_slice %arg6[%dma_start3A_206, %dma_start3A_207] : memref<2x128xi32, #tpu.memory_space<vmem>> -> memref<1x128xi32, #tpu.memory_space<vmem>>
        %dma_start3A_209 = tpu.memref_squeeze %dma_start3A_208 : memref<1x128xi32, #tpu.memory_space<vmem>> -> memref<128xi32, #tpu.memory_space<vmem>>
        %dma_start3A_210 = arith.constant 0 : i32
        %dma_start3A_211 = arith.constant 0 : i32
        %dma_start3A_212 = tpu.memref_slice %arg3[%dma_start3A_205, %dma_start3A_210, %dma_start3A_211] : memref<2x2560x128xi32, #tpu.memory_space<hbm>> -> memref<1x2560x128xi32, #tpu.memory_space<hbm>>
        %dma_start3A_213 = tpu.memref_squeeze %dma_start3A_212 : memref<1x2560x128xi32, #tpu.memory_space<hbm>> -> memref<2560x128xi32, #tpu.memory_space<hbm>>
        %dma_start3A_214 = arith.constant 0 : i32
        %dma_start3A_215 = tpu.memref_slice %dma_start3A_213[%add3A_204, %dma_start3A_214] : memref<2560x128xi32, #tpu.memory_space<hbm>> -> memref<1x128xi32, #tpu.memory_space<hbm>>
        %dma_start3A_216 = tpu.memref_squeeze %dma_start3A_215 : memref<1x128xi32, #tpu.memory_space<hbm>> -> memref<128xi32, #tpu.memory_space<hbm>>
        %dma_start3A_217 = arith.constant 0 : i32
        %dma_start3A_218 = tpu.memref_slice %arg6[%dma_start3A_206, %dma_start3A_217] : memref<2x128xi32, #tpu.memory_space<vmem>> -> memref<1x128xi32, #tpu.memory_space<vmem>>
        %dma_start3A_219 = tpu.memref_squeeze %dma_start3A_218 : memref<1x128xi32, #tpu.memory_space<vmem>> -> memref<128xi32, #tpu.memory_space<vmem>>
        %dma_start3A_220 = arith.constant 0 : i32
        %dma_start3A_221 = arith.constant 0 : i32
        %dma_start3A_222 = tpu.memref_slice %arg3[%dma_start3A_205, %dma_start3A_220, %dma_start3A_221] : memref<2x2560x128xi32, #tpu.memory_space<hbm>> -> memref<1x2560x128xi32, #tpu.memory_space<hbm>>
        %dma_start3A_223 = tpu.memref_squeeze %dma_start3A_222 : memref<1x2560x128xi32, #tpu.memory_space<hbm>> -> memref<2560x128xi32, #tpu.memory_space<hbm>>
        %dma_start3A_224 = arith.constant 0 : i32
        %dma_start3A_225 = tpu.memref_slice %dma_start3A_223[%add3A_204, %dma_start3A_224] : memref<2560x128xi32, #tpu.memory_space<hbm>> -> memref<1x128xi32, #tpu.memory_space<hbm>>
        %dma_start3A_226 = tpu.memref_squeeze %dma_start3A_225 : memref<1x128xi32, #tpu.memory_space<hbm>> -> memref<128xi32, #tpu.memory_space<hbm>>
        tpu.enqueue_dma source(%dma_start3A_226 : memref<128xi32, #tpu.memory_space<hbm>>) target(%dma_start3A_219 : memref<128xi32, #tpu.memory_space<vmem>>) target_semaphore(%arg12 : memref<!tpu.dma_semaphore, #tpu.memory_space<semaphore_mem>>)
      } else {
      }
      %add3A_154 = arith.constant 1 : i32
      %add3A_155 = arith.addi %mul3A_119, %add3A_154 : i32
      %dma_wait3A_156 = arith.constant 0 : i32
      %dma_wait3A_157 = arith.constant 0 : i32
      %dma_wait3A_158 = tpu.memref_slice %arg5[%dma_wait3A_156, %dma_wait3A_157] : memref<80x128xi32, #tpu.memory_space<vmem>> -> memref<1x128xi32, #tpu.memory_space<vmem>>
      %dma_wait3A_159 = tpu.memref_squeeze %dma_wait3A_158 : memref<1x128xi32, #tpu.memory_space<vmem>> -> memref<128xi32, #tpu.memory_space<vmem>>
      %dma_wait3A_160 = arith.constant 0 : i32
      %dma_wait3A_161 = arith.constant 0 : i32
      %dma_wait3A_162 = tpu.memref_slice %arg2[%dma_wait3A_160, %dma_wait3A_161] : memref<10000x128xf32, #tpu.memory_space<hbm>> -> memref<10000x128xf32, #tpu.memory_space<hbm>>
      tpu.wait_indirect_dma semaphore(%arg11 : memref<!tpu.dma_semaphore, #tpu.memory_space<semaphore_mem>>) src(%dma_wait3A_162 : memref<10000x128xf32, #tpu.memory_space<hbm>>) dst(%arg8 : memref<128x128xf32, #tpu.memory_space<vmem>>)
      %dma_wait3A_163 = arith.constant 1 : i32
      %dma_wait3A_164 = arith.constant 0 : i32
      %dma_wait3A_165 = arith.constant 0 : i32
      %dma_wait3A_166 = arith.constant 0 : i32
      %dma_wait3A_167 = tpu.memref_slice %arg6[%dma_wait3A_165, %dma_wait3A_166] : memref<2x128xi32, #tpu.memory_space<vmem>> -> memref<1x128xi32, #tpu.memory_space<vmem>>
      %dma_wait3A_168 = tpu.memref_squeeze %dma_wait3A_167 : memref<1x128xi32, #tpu.memory_space<vmem>> -> memref<128xi32, #tpu.memory_space<vmem>>
      %dma_wait3A_169 = arith.constant 0 : i32
      %dma_wait3A_170 = arith.constant 0 : i32
      %dma_wait3A_171 = tpu.memref_slice %arg3[%dma_wait3A_163, %dma_wait3A_169, %dma_wait3A_170] : memref<2x2560x128xi32, #tpu.memory_space<hbm>> -> memref<1x2560x128xi32, #tpu.memory_space<hbm>>
      %dma_wait3A_172 = tpu.memref_squeeze %dma_wait3A_171 : memref<1x2560x128xi32, #tpu.memory_space<hbm>> -> memref<2560x128xi32, #tpu.memory_space<hbm>>
      %dma_wait3A_173 = arith.constant 0 : i32
      %dma_wait3A_174 = tpu.memref_slice %dma_wait3A_172[%dma_wait3A_164, %dma_wait3A_173] : memref<2560x128xi32, #tpu.memory_space<hbm>> -> memref<1x128xi32, #tpu.memory_space<hbm>>
      %dma_wait3A_175 = tpu.memref_squeeze %dma_wait3A_174 : memref<1x128xi32, #tpu.memory_space<hbm>> -> memref<128xi32, #tpu.memory_space<hbm>>
      %dma_wait3A_176 = arith.constant 0 : i32
      %dma_wait3A_177 = tpu.memref_slice %arg6[%dma_wait3A_165, %dma_wait3A_176] : memref<2x128xi32, #tpu.memory_space<vmem>> -> memref<1x128xi32, #tpu.memory_space<vmem>>
      %dma_wait3A_178 = tpu.memref_squeeze %dma_wait3A_177 : memref<1x128xi32, #tpu.memory_space<vmem>> -> memref<128xi32, #tpu.memory_space<vmem>>
      %dma_wait3A_179 = arith.constant 0 : i32
      %dma_wait3A_180 = arith.constant 0 : i32
      %dma_wait3A_181 = tpu.memref_slice %arg3[%dma_wait3A_163, %dma_wait3A_179, %dma_wait3A_180] : memref<2x2560x128xi32, #tpu.memory_space<hbm>> -> memref<1x2560x128xi32, #tpu.memory_space<hbm>>
      %dma_wait3A_182 = tpu.memref_squeeze %dma_wait3A_181 : memref<1x2560x128xi32, #tpu.memory_space<hbm>> -> memref<2560x128xi32, #tpu.memory_space<hbm>>
      %dma_wait3A_183 = arith.constant 0 : i32
      %dma_wait3A_184 = tpu.memref_slice %dma_wait3A_182[%dma_wait3A_164, %dma_wait3A_183] : memref<2560x128xi32, #tpu.memory_space<hbm>> -> memref<1x128xi32, #tpu.memory_space<hbm>>
      %dma_wait3A_185 = tpu.memref_squeeze %dma_wait3A_184 : memref<1x128xi32, #tpu.memory_space<hbm>> -> memref<128xi32, #tpu.memory_space<hbm>>
      tpu.wait_dma2 semaphore(%arg13 : memref<!tpu.dma_semaphore, #tpu.memory_space<semaphore_mem>>) src(%dma_wait3A_185 : memref<128xi32, #tpu.memory_space<hbm>>) dst(%dma_wait3A_178 : memref<128xi32, #tpu.memory_space<vmem>>)
      %run_scoped3A_186 = arith.constant 1 : i32
      "tpu.region"() ({
        %run_scoped3A_194 = tpu.sem_alloc : memref<!tpu.dma_semaphore, #tpu.memory_space<semaphore_mem>>
        %dma_start3A_195 = arith.constant 0 : i32
        %dma_start3A_196 = tpu.memref_slice %arg6[%run_scoped3A_186, %dma_start3A_195] : memref<2x128xi32, #tpu.memory_space<vmem>> -> memref<1x128xi32, #tpu.memory_space<vmem>>
        %dma_start3A_197 = tpu.memref_squeeze %dma_start3A_196 : memref<1x128xi32, #tpu.memory_space<vmem>> -> memref<128xi32, #tpu.memory_space<vmem>>
        %dma_start3A_198 = arith.constant 0 : i32
        %dma_start3A_199 = arith.constant 0 : i32
        %dma_start3A_200 = tpu.memref_slice %arg9[%dma_start3A_198, %dma_start3A_199] : memref<10240x128xf32, #tpu.memory_space<vmem_shared>> -> memref<10240x128xf32, #tpu.memory_space<vmem_shared>>
        tpu.enqueue_indirect_dma source(%arg8 : memref<128x128xf32, #tpu.memory_space<vmem>>) target(%dma_start3A_200 : memref<10240x128xf32, #tpu.memory_space<vmem_shared>>) offsets(%dma_start3A_197 : memref<128xi32, #tpu.memory_space<vmem>>) semaphore(%run_scoped3A_194 : memref<!tpu.dma_semaphore, #tpu.memory_space<semaphore_mem>>) {add = true}
        %dma_wait3A_201 = arith.constant 0 : i32
        %dma_wait3A_202 = tpu.memref_slice %arg6[%run_scoped3A_186, %dma_wait3A_201] : memref<2x128xi32, #tpu.memory_space<vmem>> -> memref<1x128xi32, #tpu.memory_space<vmem>>
        %dma_wait3A_203 = tpu.memref_squeeze %dma_wait3A_202 : memref<1x128xi32, #tpu.memory_space<vmem>> -> memref<128xi32, #tpu.memory_space<vmem>>
        %dma_wait3A_204 = arith.constant 0 : i32
        %dma_wait3A_205 = arith.constant 0 : i32
        %dma_wait3A_206 = tpu.memref_slice %arg9[%dma_wait3A_204, %dma_wait3A_205] : memref<10240x128xf32, #tpu.memory_space<vmem_shared>> -> memref<10240x128xf32, #tpu.memory_space<vmem_shared>>
        tpu.wait_indirect_dma semaphore(%run_scoped3A_194 : memref<!tpu.dma_semaphore, #tpu.memory_space<semaphore_mem>>) src(%arg8 : memref<128x128xf32, #tpu.memory_space<vmem>>) dst(%dma_wait3A_206 : memref<10240x128xf32, #tpu.memory_space<vmem_shared>>)
        tpu.yield
      }) : () -> ()
      %add3A_187 = arith.constant 2 : i32
      %add3A_188 = arith.addi %add3A_155, %add3A_187 : i32
      %lt3A_189 = arith.constant 80 : i32
      %lt3A_190 = arith.cmpi slt, %add3A_188, %lt3A_189 : i32
      %convert_element_type3A_191 = arith.extui %lt3A_190 : i1 to i32
      %cond3A_192 = arith.constant 0 : i32
      %cond3A_193 = arith.cmpi ne, %convert_element_type3A_191, %cond3A_192 : i32
      scf.if %cond3A_193 {
        %add3A_194 = arith.constant 2 : i32
        %add3A_195 = arith.addi %add3A_155, %add3A_194 : i32
        %dma_start3A_196 = arith.constant 0 : i32
        %dma_start3A_197 = tpu.memref_slice %arg5[%add3A_195, %dma_start3A_196] : memref<80x128xi32, #tpu.memory_space<vmem>> -> memref<1x128xi32, #tpu.memory_space<vmem>>
        %dma_start3A_198 = tpu.memref_squeeze %dma_start3A_197 : memref<1x128xi32, #tpu.memory_space<vmem>> -> memref<128xi32, #tpu.memory_space<vmem>>
        %dma_start3A_199 = arith.constant 0 : i32
        %dma_start3A_200 = arith.constant 0 : i32
        %dma_start3A_201 = tpu.memref_slice %arg2[%dma_start3A_199, %dma_start3A_200] : memref<10000x128xf32, #tpu.memory_space<hbm>> -> memref<10000x128xf32, #tpu.memory_space<hbm>>
        tpu.enqueue_indirect_dma source(%dma_start3A_201 : memref<10000x128xf32, #tpu.memory_space<hbm>>) target(%arg8 : memref<128x128xf32, #tpu.memory_space<vmem>>) offsets(%dma_start3A_198 : memref<128xi32, #tpu.memory_space<vmem>>) semaphore(%arg11 : memref<!tpu.dma_semaphore, #tpu.memory_space<semaphore_mem>>)
        %add3A_202 = arith.constant 2 : i32
        %add3A_203 = arith.addi %add3A_155, %add3A_202 : i32
        %add3A_204 = arith.addi %multiple_of3A, %add3A_203 : i32
        %dma_start3A_205 = arith.constant 1 : i32
        %dma_start3A_206 = arith.constant 1 : i32
        %dma_start3A_207 = arith.constant 0 : i32
        %dma_start3A_208 = tpu.memref_slice %arg6[%dma_start3A_206, %dma_start3A_207] : memref<2x128xi32, #tpu.memory_space<vmem>> -> memref<1x128xi32, #tpu.memory_space<vmem>>
        %dma_start3A_209 = tpu.memref_squeeze %dma_start3A_208 : memref<1x128xi32, #tpu.memory_space<vmem>> -> memref<128xi32, #tpu.memory_space<vmem>>
        %dma_start3A_210 = arith.constant 0 : i32
        %dma_start3A_211 = arith.constant 0 : i32
        %dma_start3A_212 = tpu.memref_slice %arg3[%dma_start3A_205, %dma_start3A_210, %dma_start3A_211] : memref<2x2560x128xi32, #tpu.memory_space<hbm>> -> memref<1x2560x128xi32, #tpu.memory_space<hbm>>
        %dma_start3A_213 = tpu.memref_squeeze %dma_start3A_212 : memref<1x2560x128xi32, #tpu.memory_space<hbm>> -> memref<2560x128xi32, #tpu.memory_space<hbm>>
        %dma_start3A_214 = arith.constant 0 : i32
        %dma_start3A_215 = tpu.memref_slice %dma_start3A_213[%add3A_204, %dma_start3A_214] : memref<2560x128xi32, #tpu.memory_space<hbm>> -> memref<1x128xi32, #tpu.memory_space<hbm>>
        %dma_start3A_216 = tpu.memref_squeeze %dma_start3A_215 : memref<1x128xi32, #tpu.memory_space<hbm>> -> memref<128xi32, #tpu.memory_space<hbm>>
        %dma_start3A_217 = arith.constant 0 : i32
        %dma_start3A_218 = tpu.memref_slice %arg6[%dma_start3A_206, %dma_start3A_217] : memref<2x128xi32, #tpu.memory_space<vmem>> -> memref<1x128xi32, #tpu.memory_space<vmem>>
        %dma_start3A_219 = tpu.memref_squeeze %dma_start3A_218 : memref<1x128xi32, #tpu.memory_space<vmem>> -> memref<128xi32, #tpu.memory_space<vmem>>
        %dma_start3A_220 = arith.constant 0 : i32
        %dma_start3A_221 = arith.constant 0 : i32
        %dma_start3A_222 = tpu.memref_slice %arg3[%dma_start3A_205, %dma_start3A_220, %dma_start3A_221] : memref<2x2560x128xi32, #tpu.memory_space<hbm>> -> memref<1x2560x128xi32, #tpu.memory_space<hbm>>
        %dma_start3A_223 = tpu.memref_squeeze %dma_start3A_222 : memref<1x2560x128xi32, #tpu.memory_space<hbm>> -> memref<2560x128xi32, #tpu.memory_space<hbm>>
        %dma_start3A_224 = arith.constant 0 : i32
        %dma_start3A_225 = tpu.memref_slice %dma_start3A_223[%add3A_204, %dma_start3A_224] : memref<2560x128xi32, #tpu.memory_space<hbm>> -> memref<1x128xi32, #tpu.memory_space<hbm>>
        %dma_start3A_226 = tpu.memref_squeeze %dma_start3A_225 : memref<1x128xi32, #tpu.memory_space<hbm>> -> memref<128xi32, #tpu.memory_space<hbm>>
        tpu.enqueue_dma source(%dma_start3A_226 : memref<128xi32, #tpu.memory_space<hbm>>) target(%dma_start3A_219 : memref<128xi32, #tpu.memory_space<vmem>>) target_semaphore(%arg13 : memref<!tpu.dma_semaphore, #tpu.memory_space<semaphore_mem>>)
      } else {
      }
    }
    %scan3A_95 = arith.constant 40 : i32
    %barrier3A_96 = arith.constant 0 : index
    tpu.barrier barrier_id(%barrier3A_96)
    "tpu.trace_stop"() : () -> ()
    "tpu.trace_start"() <{level = 10 : i32, message = "ph_export"}> : () -> ()
    %mul3A_97 = arith.constant 640 : i32
    %mul3A_98 = arith.muli %arg1, %mul3A_97 : i32
    %add3A_99 = arith.constant 0 : i32
    %add3A_100 = arith.addi %mul3A_98, %add3A_99 : i32
    "tpu.region"() ({
      %run_scoped3A_117 = tpu.sem_alloc : memref<!tpu.dma_semaphore, #tpu.memory_space<semaphore_mem>>
      %dma_start3A_118 = arith.constant 0 : i32
      %dma_start3A_119 = arith.constant 0 : i32
      %dma_start3A_120 = tpu.memref_slice %arg7[%dma_start3A_118, %dma_start3A_119] : memref<128x128xf32, #tpu.memory_space<vmem>> -> memref<128x128xf32, #tpu.memory_space<vmem>>
      %dma_start3A_121 = arith.constant 0 : i32
      %dma_start3A_122 = tpu.memref_slice %arg9[%add3A_100, %dma_start3A_121] : memref<10240x128xf32, #tpu.memory_space<vmem_shared>> -> memref<128x128xf32, #tpu.memory_space<vmem_shared>>
      %dma_start3A_123 = arith.constant 0 : i32
      %dma_start3A_124 = arith.constant 0 : i32
      %dma_start3A_125 = tpu.memref_slice %arg7[%dma_start3A_123, %dma_start3A_124] : memref<128x128xf32, #tpu.memory_space<vmem>> -> memref<128x128xf32, #tpu.memory_space<vmem>>
      %dma_start3A_126 = arith.constant 0 : i32
      %dma_start3A_127 = tpu.memref_slice %arg9[%add3A_100, %dma_start3A_126] : memref<10240x128xf32, #tpu.memory_space<vmem_shared>> -> memref<128x128xf32, #tpu.memory_space<vmem_shared>>
      tpu.enqueue_dma source(%dma_start3A_127 : memref<128x128xf32, #tpu.memory_space<vmem_shared>>) target(%dma_start3A_125 : memref<128x128xf32, #tpu.memory_space<vmem>>) target_semaphore(%run_scoped3A_117 : memref<!tpu.dma_semaphore, #tpu.memory_space<semaphore_mem>>)
      %dma_wait3A = arith.constant 0 : i32
      %dma_wait3A_128 = arith.constant 0 : i32
      %dma_wait3A_129 = tpu.memref_slice %arg7[%dma_wait3A, %dma_wait3A_128] : memref<128x128xf32, #tpu.memory_space<vmem>> -> memref<128x128xf32, #tpu.memory_space<vmem>>
      %dma_wait3A_130 = arith.constant 0 : i32
      %dma_wait3A_131 = tpu.memref_slice %arg9[%add3A_100, %dma_wait3A_130] : memref<10240x128xf32, #tpu.memory_space<vmem_shared>> -> memref<128x128xf32, #tpu.memory_space<vmem_shared>>
      %dma_wait3A_132 = arith.constant 0 : i32
      %dma_wait3A_133 = arith.constant 0 : i32
      %dma_wait3A_134 = tpu.memref_slice %arg7[%dma_wait3A_132, %dma_wait3A_133] : memref<128x128xf32, #tpu.memory_space<vmem>> -> memref<128x128xf32, #tpu.memory_space<vmem>>
      %dma_wait3A_135 = arith.constant 0 : i32
      %dma_wait3A_136 = tpu.memref_slice %arg9[%add3A_100, %dma_wait3A_135] : memref<10240x128xf32, #tpu.memory_space<vmem_shared>> -> memref<128x128xf32, #tpu.memory_space<vmem_shared>>
      tpu.wait_dma2 semaphore(%run_scoped3A_117 : memref<!tpu.dma_semaphore, #tpu.memory_space<semaphore_mem>>) src(%dma_wait3A_136 : memref<128x128xf32, #tpu.memory_space<vmem_shared>>) dst(%dma_wait3A_134 : memref<128x128xf32, #tpu.memory_space<vmem>>)
      tpu.yield
    }) : () -> ()
    "tpu.region"() ({
      %run_scoped3A_117 = tpu.sem_alloc : memref<!tpu.dma_semaphore, #tpu.memory_space<semaphore_mem>>
      %dma_start3A_118 = arith.constant 0 : i32
      %dma_start3A_119 = arith.constant 0 : i32
      %dma_start3A_120 = tpu.memref_slice %arg7[%dma_start3A_118, %dma_start3A_119] : memref<128x128xf32, #tpu.memory_space<vmem>> -> memref<128x128xf32, #tpu.memory_space<vmem>>
      %dma_start3A_121 = arith.constant 0 : i32
      %dma_start3A_122 = arith.constant 0 : i32
      %dma_start3A_123 = tpu.memref_slice %arg4[%arg0, %dma_start3A_121, %dma_start3A_122] : memref<2x10240x128xf32, #tpu.memory_space<hbm>> -> memref<1x10240x128xf32, #tpu.memory_space<hbm>>
      %dma_start3A_124 = tpu.memref_squeeze %dma_start3A_123 : memref<1x10240x128xf32, #tpu.memory_space<hbm>> -> memref<10240x128xf32, #tpu.memory_space<hbm>>
      %dma_start3A_125 = arith.constant 0 : i32
      %dma_start3A_126 = tpu.memref_slice %dma_start3A_124[%add3A_100, %dma_start3A_125] : memref<10240x128xf32, #tpu.memory_space<hbm>> -> memref<128x128xf32, #tpu.memory_space<hbm>>
      %dma_start3A_127 = arith.constant 0 : i32
      %dma_start3A_128 = arith.constant 0 : i32
      %dma_start3A_129 = tpu.memref_slice %arg4[%arg0, %dma_start3A_127, %dma_start3A_128] : memref<2x10240x128xf32, #tpu.memory_space<hbm>> -> memref<1x10240x128xf32, #tpu.memory_space<hbm>>
      %dma_start3A_130 = tpu.memref_squeeze %dma_start3A_129 : memref<1x10240x128xf32, #tpu.memory_space<hbm>> -> memref<10240x128xf32, #tpu.memory_space<hbm>>
      %dma_start3A_131 = arith.constant 0 : i32
      %dma_start3A_132 = tpu.memref_slice %dma_start3A_130[%add3A_100, %dma_start3A_131] : memref<10240x128xf32, #tpu.memory_space<hbm>> -> memref<128x128xf32, #tpu.memory_space<hbm>>
      %dma_start3A_133 = arith.constant 0 : i32
      %dma_start3A_134 = arith.constant 0 : i32
      %dma_start3A_135 = tpu.memref_slice %arg7[%dma_start3A_133, %dma_start3A_134] : memref<128x128xf32, #tpu.memory_space<vmem>> -> memref<128x128xf32, #tpu.memory_space<vmem>>
      tpu.enqueue_dma source(%dma_start3A_135 : memref<128x128xf32, #tpu.memory_space<vmem>>) target(%dma_start3A_132 : memref<128x128xf32, #tpu.memory_space<hbm>>) target_semaphore(%run_scoped3A_117 : memref<!tpu.dma_semaphore, #tpu.memory_space<semaphore_mem>>)
      %dma_wait3A = arith.constant 0 : i32
      %dma_wait3A_136 = arith.constant 0 : i32
      %dma_wait3A_137 = tpu.memref_slice %arg7[%dma_wait3A, %dma_wait3A_136] : memref<128x128xf32, #tpu.memory_space<vmem>> -> memref<128x128xf32, #tpu.memory_space<vmem>>
      %dma_wait3A_138 = arith.constant 0 : i32
      %dma_wait3A_139 = arith.constant 0 : i32
      %dma_wait3A_140 = tpu.memref_slice %arg4[%arg0, %dma_wait3A_138, %dma_wait3A_139] : memref<2x10240x128xf32, #tpu.memory_space<hbm>> -> memref<1x10240x128xf32, #tpu.memory_space<hbm>>
      %dma_wait3A_141 = tpu.memref_squeeze %dma_wait3A_140 : memref<1x10240x128xf32, #tpu.memory_space<hbm>> -> memref<10240x128xf32, #tpu.memory_space<hbm>>
      %dma_wait3A_142 = arith.constant 0 : i32
      %dma_wait3A_143 = tpu.memref_slice %dma_wait3A_141[%add3A_100, %dma_wait3A_142] : memref<10240x128xf32, #tpu.memory_space<hbm>> -> memref<128x128xf32, #tpu.memory_space<hbm>>
      %dma_wait3A_144 = arith.constant 0 : i32
      %dma_wait3A_145 = arith.constant 0 : i32
      %dma_wait3A_146 = tpu.memref_slice %arg4[%arg0, %dma_wait3A_144, %dma_wait3A_145] : memref<2x10240x128xf32, #tpu.memory_space<hbm>> -> memref<1x10240x128xf32, #tpu.memory_space<hbm>>
      %dma_wait3A_147 = tpu.memref_squeeze %dma_wait3A_146 : memref<1x10240x128xf32, #tpu.memory_space<hbm>> -> memref<10240x128xf32, #tpu.memory_space<hbm>>
      %dma_wait3A_148 = arith.constant 0 : i32
      %dma_wait3A_149 = tpu.memref_slice %dma_wait3A_147[%add3A_100, %dma_wait3A_148] : memref<10240x128xf32, #tpu.memory_space<hbm>> -> memref<128x128xf32, #tpu.memory_space<hbm>>
      %dma_wait3A_150 = arith.constant 0 : i32
      %dma_wait3A_151 = arith.constant 0 : i32
      %dma_wait3A_152 = tpu.memref_slice %arg7[%dma_wait3A_150, %dma_wait3A_151] : memref<128x128xf32, #tpu.memory_space<vmem>> -> memref<128x128xf32, #tpu.memory_space<vmem>>
      tpu.wait_dma2 semaphore(%run_scoped3A_117 : memref<!tpu.dma_semaphore, #tpu.memory_space<semaphore_mem>>) src(%dma_wait3A_152 : memref<128x128xf32, #tpu.memory_space<vmem>>) dst(%dma_wait3A_149 : memref<128x128xf32, #tpu.memory_space<hbm>>)
      tpu.yield
    }) : () -> ()
    %mul3A_101 = arith.constant 640 : i32
    %mul3A_102 = arith.muli %arg1, %mul3A_101 : i32
    %add3A_103 = arith.constant 128 : i32
    %add3A_104 = arith.addi %mul3A_102, %add3A_103 : i32
    "tpu.region"() ({
      %run_scoped3A_117 = tpu.sem_alloc : memref<!tpu.dma_semaphore, #tpu.memory_space<semaphore_mem>>
      %dma_start3A_118 = arith.constant 0 : i32
      %dma_start3A_119 = arith.constant 0 : i32
      %dma_start3A_120 = tpu.memref_slice %arg7[%dma_start3A_118, %dma_start3A_119] : memref<128x128xf32, #tpu.memory_space<vmem>> -> memref<128x128xf32, #tpu.memory_space<vmem>>
      %dma_start3A_121 = arith.constant 0 : i32
      %dma_start3A_122 = tpu.memref_slice %arg9[%add3A_104, %dma_start3A_121] : memref<10240x128xf32, #tpu.memory_space<vmem_shared>> -> memref<128x128xf32, #tpu.memory_space<vmem_shared>>
      %dma_start3A_123 = arith.constant 0 : i32
      %dma_start3A_124 = arith.constant 0 : i32
      %dma_start3A_125 = tpu.memref_slice %arg7[%dma_start3A_123, %dma_start3A_124] : memref<128x128xf32, #tpu.memory_space<vmem>> -> memref<128x128xf32, #tpu.memory_space<vmem>>
      %dma_start3A_126 = arith.constant 0 : i32
      %dma_start3A_127 = tpu.memref_slice %arg9[%add3A_104, %dma_start3A_126] : memref<10240x128xf32, #tpu.memory_space<vmem_shared>> -> memref<128x128xf32, #tpu.memory_space<vmem_shared>>
      tpu.enqueue_dma source(%dma_start3A_127 : memref<128x128xf32, #tpu.memory_space<vmem_shared>>) target(%dma_start3A_125 : memref<128x128xf32, #tpu.memory_space<vmem>>) target_semaphore(%run_scoped3A_117 : memref<!tpu.dma_semaphore, #tpu.memory_space<semaphore_mem>>)
      %dma_wait3A = arith.constant 0 : i32
      %dma_wait3A_128 = arith.constant 0 : i32
      %dma_wait3A_129 = tpu.memref_slice %arg7[%dma_wait3A, %dma_wait3A_128] : memref<128x128xf32, #tpu.memory_space<vmem>> -> memref<128x128xf32, #tpu.memory_space<vmem>>
      %dma_wait3A_130 = arith.constant 0 : i32
      %dma_wait3A_131 = tpu.memref_slice %arg9[%add3A_104, %dma_wait3A_130] : memref<10240x128xf32, #tpu.memory_space<vmem_shared>> -> memref<128x128xf32, #tpu.memory_space<vmem_shared>>
      %dma_wait3A_132 = arith.constant 0 : i32
      %dma_wait3A_133 = arith.constant 0 : i32
      %dma_wait3A_134 = tpu.memref_slice %arg7[%dma_wait3A_132, %dma_wait3A_133] : memref<128x128xf32, #tpu.memory_space<vmem>> -> memref<128x128xf32, #tpu.memory_space<vmem>>
      %dma_wait3A_135 = arith.constant 0 : i32
      %dma_wait3A_136 = tpu.memref_slice %arg9[%add3A_104, %dma_wait3A_135] : memref<10240x128xf32, #tpu.memory_space<vmem_shared>> -> memref<128x128xf32, #tpu.memory_space<vmem_shared>>
      tpu.wait_dma2 semaphore(%run_scoped3A_117 : memref<!tpu.dma_semaphore, #tpu.memory_space<semaphore_mem>>) src(%dma_wait3A_136 : memref<128x128xf32, #tpu.memory_space<vmem_shared>>) dst(%dma_wait3A_134 : memref<128x128xf32, #tpu.memory_space<vmem>>)
      tpu.yield
    }) : () -> ()
    "tpu.region"() ({
      %run_scoped3A_117 = tpu.sem_alloc : memref<!tpu.dma_semaphore, #tpu.memory_space<semaphore_mem>>
      %dma_start3A_118 = arith.constant 0 : i32
      %dma_start3A_119 = arith.constant 0 : i32
      %dma_start3A_120 = tpu.memref_slice %arg7[%dma_start3A_118, %dma_start3A_119] : memref<128x128xf32, #tpu.memory_space<vmem>> -> memref<128x128xf32, #tpu.memory_space<vmem>>
      %dma_start3A_121 = arith.constant 0 : i32
      %dma_start3A_122 = arith.constant 0 : i32
      %dma_start3A_123 = tpu.memref_slice %arg4[%arg0, %dma_start3A_121, %dma_start3A_122] : memref<2x10240x128xf32, #tpu.memory_space<hbm>> -> memref<1x10240x128xf32, #tpu.memory_space<hbm>>
      %dma_start3A_124 = tpu.memref_squeeze %dma_start3A_123 : memref<1x10240x128xf32, #tpu.memory_space<hbm>> -> memref<10240x128xf32, #tpu.memory_space<hbm>>
      %dma_start3A_125 = arith.constant 0 : i32
      %dma_start3A_126 = tpu.memref_slice %dma_start3A_124[%add3A_104, %dma_start3A_125] : memref<10240x128xf32, #tpu.memory_space<hbm>> -> memref<128x128xf32, #tpu.memory_space<hbm>>
      %dma_start3A_127 = arith.constant 0 : i32
      %dma_start3A_128 = arith.constant 0 : i32
      %dma_start3A_129 = tpu.memref_slice %arg4[%arg0, %dma_start3A_127, %dma_start3A_128] : memref<2x10240x128xf32, #tpu.memory_space<hbm>> -> memref<1x10240x128xf32, #tpu.memory_space<hbm>>
      %dma_start3A_130 = tpu.memref_squeeze %dma_start3A_129 : memref<1x10240x128xf32, #tpu.memory_space<hbm>> -> memref<10240x128xf32, #tpu.memory_space<hbm>>
      %dma_start3A_131 = arith.constant 0 : i32
      %dma_start3A_132 = tpu.memref_slice %dma_start3A_130[%add3A_104, %dma_start3A_131] : memref<10240x128xf32, #tpu.memory_space<hbm>> -> memref<128x128xf32, #tpu.memory_space<hbm>>
      %dma_start3A_133 = arith.constant 0 : i32
      %dma_start3A_134 = arith.constant 0 : i32
      %dma_start3A_135 = tpu.memref_slice %arg7[%dma_start3A_133, %dma_start3A_134] : memref<128x128xf32, #tpu.memory_space<vmem>> -> memref<128x128xf32, #tpu.memory_space<vmem>>
      tpu.enqueue_dma source(%dma_start3A_135 : memref<128x128xf32, #tpu.memory_space<vmem>>) target(%dma_start3A_132 : memref<128x128xf32, #tpu.memory_space<hbm>>) target_semaphore(%run_scoped3A_117 : memref<!tpu.dma_semaphore, #tpu.memory_space<semaphore_mem>>)
      %dma_wait3A = arith.constant 0 : i32
      %dma_wait3A_136 = arith.constant 0 : i32
      %dma_wait3A_137 = tpu.memref_slice %arg7[%dma_wait3A, %dma_wait3A_136] : memref<128x128xf32, #tpu.memory_space<vmem>> -> memref<128x128xf32, #tpu.memory_space<vmem>>
      %dma_wait3A_138 = arith.constant 0 : i32
      %dma_wait3A_139 = arith.constant 0 : i32
      %dma_wait3A_140 = tpu.memref_slice %arg4[%arg0, %dma_wait3A_138, %dma_wait3A_139] : memref<2x10240x128xf32, #tpu.memory_space<hbm>> -> memref<1x10240x128xf32, #tpu.memory_space<hbm>>
      %dma_wait3A_141 = tpu.memref_squeeze %dma_wait3A_140 : memref<1x10240x128xf32, #tpu.memory_space<hbm>> -> memref<10240x128xf32, #tpu.memory_space<hbm>>
      %dma_wait3A_142 = arith.constant 0 : i32
      %dma_wait3A_143 = tpu.memref_slice %dma_wait3A_141[%add3A_104, %dma_wait3A_142] : memref<10240x128xf32, #tpu.memory_space<hbm>> -> memref<128x128xf32, #tpu.memory_space<hbm>>
      %dma_wait3A_144 = arith.constant 0 : i32
      %dma_wait3A_145 = arith.constant 0 : i32
      %dma_wait3A_146 = tpu.memref_slice %arg4[%arg0, %dma_wait3A_144, %dma_wait3A_145] : memref<2x10240x128xf32, #tpu.memory_space<hbm>> -> memref<1x10240x128xf32, #tpu.memory_space<hbm>>
      %dma_wait3A_147 = tpu.memref_squeeze %dma_wait3A_146 : memref<1x10240x128xf32, #tpu.memory_space<hbm>> -> memref<10240x128xf32, #tpu.memory_space<hbm>>
      %dma_wait3A_148 = arith.constant 0 : i32
      %dma_wait3A_149 = tpu.memref_slice %dma_wait3A_147[%add3A_104, %dma_wait3A_148] : memref<10240x128xf32, #tpu.memory_space<hbm>> -> memref<128x128xf32, #tpu.memory_space<hbm>>
      %dma_wait3A_150 = arith.constant 0 : i32
      %dma_wait3A_151 = arith.constant 0 : i32
      %dma_wait3A_152 = tpu.memref_slice %arg7[%dma_wait3A_150, %dma_wait3A_151] : memref<128x128xf32, #tpu.memory_space<vmem>> -> memref<128x128xf32, #tpu.memory_space<vmem>>
      tpu.wait_dma2 semaphore(%run_scoped3A_117 : memref<!tpu.dma_semaphore, #tpu.memory_space<semaphore_mem>>) src(%dma_wait3A_152 : memref<128x128xf32, #tpu.memory_space<vmem>>) dst(%dma_wait3A_149 : memref<128x128xf32, #tpu.memory_space<hbm>>)
      tpu.yield
    }) : () -> ()
    %mul3A_105 = arith.constant 640 : i32
    %mul3A_106 = arith.muli %arg1, %mul3A_105 : i32
    %add3A_107 = arith.constant 256 : i32
    %add3A_108 = arith.addi %mul3A_106, %add3A_107 : i32
    "tpu.region"() ({
      %run_scoped3A_117 = tpu.sem_alloc : memref<!tpu.dma_semaphore, #tpu.memory_space<semaphore_mem>>
      %dma_start3A_118 = arith.constant 0 : i32
      %dma_start3A_119 = arith.constant 0 : i32
      %dma_start3A_120 = tpu.memref_slice %arg7[%dma_start3A_118, %dma_start3A_119] : memref<128x128xf32, #tpu.memory_space<vmem>> -> memref<128x128xf32, #tpu.memory_space<vmem>>
      %dma_start3A_121 = arith.constant 0 : i32
      %dma_start3A_122 = tpu.memref_slice %arg9[%add3A_108, %dma_start3A_121] : memref<10240x128xf32, #tpu.memory_space<vmem_shared>> -> memref<128x128xf32, #tpu.memory_space<vmem_shared>>
      %dma_start3A_123 = arith.constant 0 : i32
      %dma_start3A_124 = arith.constant 0 : i32
      %dma_start3A_125 = tpu.memref_slice %arg7[%dma_start3A_123, %dma_start3A_124] : memref<128x128xf32, #tpu.memory_space<vmem>> -> memref<128x128xf32, #tpu.memory_space<vmem>>
      %dma_start3A_126 = arith.constant 0 : i32
      %dma_start3A_127 = tpu.memref_slice %arg9[%add3A_108, %dma_start3A_126] : memref<10240x128xf32, #tpu.memory_space<vmem_shared>> -> memref<128x128xf32, #tpu.memory_space<vmem_shared>>
      tpu.enqueue_dma source(%dma_start3A_127 : memref<128x128xf32, #tpu.memory_space<vmem_shared>>) target(%dma_start3A_125 : memref<128x128xf32, #tpu.memory_space<vmem>>) target_semaphore(%run_scoped3A_117 : memref<!tpu.dma_semaphore, #tpu.memory_space<semaphore_mem>>)
      %dma_wait3A = arith.constant 0 : i32
      %dma_wait3A_128 = arith.constant 0 : i32
      %dma_wait3A_129 = tpu.memref_slice %arg7[%dma_wait3A, %dma_wait3A_128] : memref<128x128xf32, #tpu.memory_space<vmem>> -> memref<128x128xf32, #tpu.memory_space<vmem>>
      %dma_wait3A_130 = arith.constant 0 : i32
      %dma_wait3A_131 = tpu.memref_slice %arg9[%add3A_108, %dma_wait3A_130] : memref<10240x128xf32, #tpu.memory_space<vmem_shared>> -> memref<128x128xf32, #tpu.memory_space<vmem_shared>>
      %dma_wait3A_132 = arith.constant 0 : i32
      %dma_wait3A_133 = arith.constant 0 : i32
      %dma_wait3A_134 = tpu.memref_slice %arg7[%dma_wait3A_132, %dma_wait3A_133] : memref<128x128xf32, #tpu.memory_space<vmem>> -> memref<128x128xf32, #tpu.memory_space<vmem>>
      %dma_wait3A_135 = arith.constant 0 : i32
      %dma_wait3A_136 = tpu.memref_slice %arg9[%add3A_108, %dma_wait3A_135] : memref<10240x128xf32, #tpu.memory_space<vmem_shared>> -> memref<128x128xf32, #tpu.memory_space<vmem_shared>>
      tpu.wait_dma2 semaphore(%run_scoped3A_117 : memref<!tpu.dma_semaphore, #tpu.memory_space<semaphore_mem>>) src(%dma_wait3A_136 : memref<128x128xf32, #tpu.memory_space<vmem_shared>>) dst(%dma_wait3A_134 : memref<128x128xf32, #tpu.memory_space<vmem>>)
      tpu.yield
    }) : () -> ()
    "tpu.region"() ({
      %run_scoped3A_117 = tpu.sem_alloc : memref<!tpu.dma_semaphore, #tpu.memory_space<semaphore_mem>>
      %dma_start3A_118 = arith.constant 0 : i32
      %dma_start3A_119 = arith.constant 0 : i32
      %dma_start3A_120 = tpu.memref_slice %arg7[%dma_start3A_118, %dma_start3A_119] : memref<128x128xf32, #tpu.memory_space<vmem>> -> memref<128x128xf32, #tpu.memory_space<vmem>>
      %dma_start3A_121 = arith.constant 0 : i32
      %dma_start3A_122 = arith.constant 0 : i32
      %dma_start3A_123 = tpu.memref_slice %arg4[%arg0, %dma_start3A_121, %dma_start3A_122] : memref<2x10240x128xf32, #tpu.memory_space<hbm>> -> memref<1x10240x128xf32, #tpu.memory_space<hbm>>
      %dma_start3A_124 = tpu.memref_squeeze %dma_start3A_123 : memref<1x10240x128xf32, #tpu.memory_space<hbm>> -> memref<10240x128xf32, #tpu.memory_space<hbm>>
      %dma_start3A_125 = arith.constant 0 : i32
      %dma_start3A_126 = tpu.memref_slice %dma_start3A_124[%add3A_108, %dma_start3A_125] : memref<10240x128xf32, #tpu.memory_space<hbm>> -> memref<128x128xf32, #tpu.memory_space<hbm>>
      %dma_start3A_127 = arith.constant 0 : i32
      %dma_start3A_128 = arith.constant 0 : i32
      %dma_start3A_129 = tpu.memref_slice %arg4[%arg0, %dma_start3A_127, %dma_start3A_128] : memref<2x10240x128xf32, #tpu.memory_space<hbm>> -> memref<1x10240x128xf32, #tpu.memory_space<hbm>>
      %dma_start3A_130 = tpu.memref_squeeze %dma_start3A_129 : memref<1x10240x128xf32, #tpu.memory_space<hbm>> -> memref<10240x128xf32, #tpu.memory_space<hbm>>
      %dma_start3A_131 = arith.constant 0 : i32
      %dma_start3A_132 = tpu.memref_slice %dma_start3A_130[%add3A_108, %dma_start3A_131] : memref<10240x128xf32, #tpu.memory_space<hbm>> -> memref<128x128xf32, #tpu.memory_space<hbm>>
      %dma_start3A_133 = arith.constant 0 : i32
      %dma_start3A_134 = arith.constant 0 : i32
      %dma_start3A_135 = tpu.memref_slice %arg7[%dma_start3A_133, %dma_start3A_134] : memref<128x128xf32, #tpu.memory_space<vmem>> -> memref<128x128xf32, #tpu.memory_space<vmem>>
      tpu.enqueue_dma source(%dma_start3A_135 : memref<128x128xf32, #tpu.memory_space<vmem>>) target(%dma_start3A_132 : memref<128x128xf32, #tpu.memory_space<hbm>>) target_semaphore(%run_scoped3A_117 : memref<!tpu.dma_semaphore, #tpu.memory_space<semaphore_mem>>)
      %dma_wait3A = arith.constant 0 : i32
      %dma_wait3A_136 = arith.constant 0 : i32
      %dma_wait3A_137 = tpu.memref_slice %arg7[%dma_wait3A, %dma_wait3A_136] : memref<128x128xf32, #tpu.memory_space<vmem>> -> memref<128x128xf32, #tpu.memory_space<vmem>>
      %dma_wait3A_138 = arith.constant 0 : i32
      %dma_wait3A_139 = arith.constant 0 : i32
      %dma_wait3A_140 = tpu.memref_slice %arg4[%arg0, %dma_wait3A_138, %dma_wait3A_139] : memref<2x10240x128xf32, #tpu.memory_space<hbm>> -> memref<1x10240x128xf32, #tpu.memory_space<hbm>>
      %dma_wait3A_141 = tpu.memref_squeeze %dma_wait3A_140 : memref<1x10240x128xf32, #tpu.memory_space<hbm>> -> memref<10240x128xf32, #tpu.memory_space<hbm>>
      %dma_wait3A_142 = arith.constant 0 : i32
      %dma_wait3A_143 = tpu.memref_slice %dma_wait3A_141[%add3A_108, %dma_wait3A_142] : memref<10240x128xf32, #tpu.memory_space<hbm>> -> memref<128x128xf32, #tpu.memory_space<hbm>>
      %dma_wait3A_144 = arith.constant 0 : i32
      %dma_wait3A_145 = arith.constant 0 : i32
      %dma_wait3A_146 = tpu.memref_slice %arg4[%arg0, %dma_wait3A_144, %dma_wait3A_145] : memref<2x10240x128xf32, #tpu.memory_space<hbm>> -> memref<1x10240x128xf32, #tpu.memory_space<hbm>>
      %dma_wait3A_147 = tpu.memref_squeeze %dma_wait3A_146 : memref<1x10240x128xf32, #tpu.memory_space<hbm>> -> memref<10240x128xf32, #tpu.memory_space<hbm>>
      %dma_wait3A_148 = arith.constant 0 : i32
      %dma_wait3A_149 = tpu.memref_slice %dma_wait3A_147[%add3A_108, %dma_wait3A_148] : memref<10240x128xf32, #tpu.memory_space<hbm>> -> memref<128x128xf32, #tpu.memory_space<hbm>>
      %dma_wait3A_150 = arith.constant 0 : i32
      %dma_wait3A_151 = arith.constant 0 : i32
      %dma_wait3A_152 = tpu.memref_slice %arg7[%dma_wait3A_150, %dma_wait3A_151] : memref<128x128xf32, #tpu.memory_space<vmem>> -> memref<128x128xf32, #tpu.memory_space<vmem>>
      tpu.wait_dma2 semaphore(%run_scoped3A_117 : memref<!tpu.dma_semaphore, #tpu.memory_space<semaphore_mem>>) src(%dma_wait3A_152 : memref<128x128xf32, #tpu.memory_space<vmem>>) dst(%dma_wait3A_149 : memref<128x128xf32, #tpu.memory_space<hbm>>)
      tpu.yield
    }) : () -> ()
    %mul3A_109 = arith.constant 640 : i32
    %mul3A_110 = arith.muli %arg1, %mul3A_109 : i32
    %add3A_111 = arith.constant 384 : i32
    %add3A_112 = arith.addi %mul3A_110, %add3A_111 : i32
    "tpu.region"() ({
      %run_scoped3A_117 = tpu.sem_alloc : memref<!tpu.dma_semaphore, #tpu.memory_space<semaphore_mem>>
      %dma_start3A_118 = arith.constant 0 : i32
      %dma_start3A_119 = arith.constant 0 : i32
      %dma_start3A_120 = tpu.memref_slice %arg7[%dma_start3A_118, %dma_start3A_119] : memref<128x128xf32, #tpu.memory_space<vmem>> -> memref<128x128xf32, #tpu.memory_space<vmem>>
      %dma_start3A_121 = arith.constant 0 : i32
      %dma_start3A_122 = tpu.memref_slice %arg9[%add3A_112, %dma_start3A_121] : memref<10240x128xf32, #tpu.memory_space<vmem_shared>> -> memref<128x128xf32, #tpu.memory_space<vmem_shared>>
      %dma_start3A_123 = arith.constant 0 : i32
      %dma_start3A_124 = arith.constant 0 : i32
      %dma_start3A_125 = tpu.memref_slice %arg7[%dma_start3A_123, %dma_start3A_124] : memref<128x128xf32, #tpu.memory_space<vmem>> -> memref<128x128xf32, #tpu.memory_space<vmem>>
      %dma_start3A_126 = arith.constant 0 : i32
      %dma_start3A_127 = tpu.memref_slice %arg9[%add3A_112, %dma_start3A_126] : memref<10240x128xf32, #tpu.memory_space<vmem_shared>> -> memref<128x128xf32, #tpu.memory_space<vmem_shared>>
      tpu.enqueue_dma source(%dma_start3A_127 : memref<128x128xf32, #tpu.memory_space<vmem_shared>>) target(%dma_start3A_125 : memref<128x128xf32, #tpu.memory_space<vmem>>) target_semaphore(%run_scoped3A_117 : memref<!tpu.dma_semaphore, #tpu.memory_space<semaphore_mem>>)
      %dma_wait3A = arith.constant 0 : i32
      %dma_wait3A_128 = arith.constant 0 : i32
      %dma_wait3A_129 = tpu.memref_slice %arg7[%dma_wait3A, %dma_wait3A_128] : memref<128x128xf32, #tpu.memory_space<vmem>> -> memref<128x128xf32, #tpu.memory_space<vmem>>
      %dma_wait3A_130 = arith.constant 0 : i32
      %dma_wait3A_131 = tpu.memref_slice %arg9[%add3A_112, %dma_wait3A_130] : memref<10240x128xf32, #tpu.memory_space<vmem_shared>> -> memref<128x128xf32, #tpu.memory_space<vmem_shared>>
      %dma_wait3A_132 = arith.constant 0 : i32
      %dma_wait3A_133 = arith.constant 0 : i32
      %dma_wait3A_134 = tpu.memref_slice %arg7[%dma_wait3A_132, %dma_wait3A_133] : memref<128x128xf32, #tpu.memory_space<vmem>> -> memref<128x128xf32, #tpu.memory_space<vmem>>
      %dma_wait3A_135 = arith.constant 0 : i32
      %dma_wait3A_136 = tpu.memref_slice %arg9[%add3A_112, %dma_wait3A_135] : memref<10240x128xf32, #tpu.memory_space<vmem_shared>> -> memref<128x128xf32, #tpu.memory_space<vmem_shared>>
      tpu.wait_dma2 semaphore(%run_scoped3A_117 : memref<!tpu.dma_semaphore, #tpu.memory_space<semaphore_mem>>) src(%dma_wait3A_136 : memref<128x128xf32, #tpu.memory_space<vmem_shared>>) dst(%dma_wait3A_134 : memref<128x128xf32, #tpu.memory_space<vmem>>)
      tpu.yield
    }) : () -> ()
    "tpu.region"() ({
      %run_scoped3A_117 = tpu.sem_alloc : memref<!tpu.dma_semaphore, #tpu.memory_space<semaphore_mem>>
      %dma_start3A_118 = arith.constant 0 : i32
      %dma_start3A_119 = arith.constant 0 : i32
      %dma_start3A_120 = tpu.memref_slice %arg7[%dma_start3A_118, %dma_start3A_119] : memref<128x128xf32, #tpu.memory_space<vmem>> -> memref<128x128xf32, #tpu.memory_space<vmem>>
      %dma_start3A_121 = arith.constant 0 : i32
      %dma_start3A_122 = arith.constant 0 : i32
      %dma_start3A_123 = tpu.memref_slice %arg4[%arg0, %dma_start3A_121, %dma_start3A_122] : memref<2x10240x128xf32, #tpu.memory_space<hbm>> -> memref<1x10240x128xf32, #tpu.memory_space<hbm>>
      %dma_start3A_124 = tpu.memref_squeeze %dma_start3A_123 : memref<1x10240x128xf32, #tpu.memory_space<hbm>> -> memref<10240x128xf32, #tpu.memory_space<hbm>>
      %dma_start3A_125 = arith.constant 0 : i32
      %dma_start3A_126 = tpu.memref_slice %dma_start3A_124[%add3A_112, %dma_start3A_125] : memref<10240x128xf32, #tpu.memory_space<hbm>> -> memref<128x128xf32, #tpu.memory_space<hbm>>
      %dma_start3A_127 = arith.constant 0 : i32
      %dma_start3A_128 = arith.constant 0 : i32
      %dma_start3A_129 = tpu.memref_slice %arg4[%arg0, %dma_start3A_127, %dma_start3A_128] : memref<2x10240x128xf32, #tpu.memory_space<hbm>> -> memref<1x10240x128xf32, #tpu.memory_space<hbm>>
      %dma_start3A_130 = tpu.memref_squeeze %dma_start3A_129 : memref<1x10240x128xf32, #tpu.memory_space<hbm>> -> memref<10240x128xf32, #tpu.memory_space<hbm>>
      %dma_start3A_131 = arith.constant 0 : i32
      %dma_start3A_132 = tpu.memref_slice %dma_start3A_130[%add3A_112, %dma_start3A_131] : memref<10240x128xf32, #tpu.memory_space<hbm>> -> memref<128x128xf32, #tpu.memory_space<hbm>>
      %dma_start3A_133 = arith.constant 0 : i32
      %dma_start3A_134 = arith.constant 0 : i32
      %dma_start3A_135 = tpu.memref_slice %arg7[%dma_start3A_133, %dma_start3A_134] : memref<128x128xf32, #tpu.memory_space<vmem>> -> memref<128x128xf32, #tpu.memory_space<vmem>>
      tpu.enqueue_dma source(%dma_start3A_135 : memref<128x128xf32, #tpu.memory_space<vmem>>) target(%dma_start3A_132 : memref<128x128xf32, #tpu.memory_space<hbm>>) target_semaphore(%run_scoped3A_117 : memref<!tpu.dma_semaphore, #tpu.memory_space<semaphore_mem>>)
      %dma_wait3A = arith.constant 0 : i32
      %dma_wait3A_136 = arith.constant 0 : i32
      %dma_wait3A_137 = tpu.memref_slice %arg7[%dma_wait3A, %dma_wait3A_136] : memref<128x128xf32, #tpu.memory_space<vmem>> -> memref<128x128xf32, #tpu.memory_space<vmem>>
      %dma_wait3A_138 = arith.constant 0 : i32
      %dma_wait3A_139 = arith.constant 0 : i32
      %dma_wait3A_140 = tpu.memref_slice %arg4[%arg0, %dma_wait3A_138, %dma_wait3A_139] : memref<2x10240x128xf32, #tpu.memory_space<hbm>> -> memref<1x10240x128xf32, #tpu.memory_space<hbm>>
      %dma_wait3A_141 = tpu.memref_squeeze %dma_wait3A_140 : memref<1x10240x128xf32, #tpu.memory_space<hbm>> -> memref<10240x128xf32, #tpu.memory_space<hbm>>
      %dma_wait3A_142 = arith.constant 0 : i32
      %dma_wait3A_143 = tpu.memref_slice %dma_wait3A_141[%add3A_112, %dma_wait3A_142] : memref<10240x128xf32, #tpu.memory_space<hbm>> -> memref<128x128xf32, #tpu.memory_space<hbm>>
      %dma_wait3A_144 = arith.constant 0 : i32
      %dma_wait3A_145 = arith.constant 0 : i32
      %dma_wait3A_146 = tpu.memref_slice %arg4[%arg0, %dma_wait3A_144, %dma_wait3A_145] : memref<2x10240x128xf32, #tpu.memory_space<hbm>> -> memref<1x10240x128xf32, #tpu.memory_space<hbm>>
      %dma_wait3A_147 = tpu.memref_squeeze %dma_wait3A_146 : memref<1x10240x128xf32, #tpu.memory_space<hbm>> -> memref<10240x128xf32, #tpu.memory_space<hbm>>
      %dma_wait3A_148 = arith.constant 0 : i32
      %dma_wait3A_149 = tpu.memref_slice %dma_wait3A_147[%add3A_112, %dma_wait3A_148] : memref<10240x128xf32, #tpu.memory_space<hbm>> -> memref<128x128xf32, #tpu.memory_space<hbm>>
      %dma_wait3A_150 = arith.constant 0 : i32
      %dma_wait3A_151 = arith.constant 0 : i32
      %dma_wait3A_152 = tpu.memref_slice %arg7[%dma_wait3A_150, %dma_wait3A_151] : memref<128x128xf32, #tpu.memory_space<vmem>> -> memref<128x128xf32, #tpu.memory_space<vmem>>
      tpu.wait_dma2 semaphore(%run_scoped3A_117 : memref<!tpu.dma_semaphore, #tpu.memory_space<semaphore_mem>>) src(%dma_wait3A_152 : memref<128x128xf32, #tpu.memory_space<vmem>>) dst(%dma_wait3A_149 : memref<128x128xf32, #tpu.memory_space<hbm>>)
      tpu.yield
    }) : () -> ()
    %mul3A_113 = arith.constant 640 : i32
    %mul3A_114 = arith.muli %arg1, %mul3A_113 : i32
    %add3A_115 = arith.constant 512 : i32
    %add3A_116 = arith.addi %mul3A_114, %add3A_115 : i32
    "tpu.region"() ({
      %run_scoped3A_117 = tpu.sem_alloc : memref<!tpu.dma_semaphore, #tpu.memory_space<semaphore_mem>>
      %dma_start3A_118 = arith.constant 0 : i32
      %dma_start3A_119 = arith.constant 0 : i32
      %dma_start3A_120 = tpu.memref_slice %arg7[%dma_start3A_118, %dma_start3A_119] : memref<128x128xf32, #tpu.memory_space<vmem>> -> memref<128x128xf32, #tpu.memory_space<vmem>>
      %dma_start3A_121 = arith.constant 0 : i32
      %dma_start3A_122 = tpu.memref_slice %arg9[%add3A_116, %dma_start3A_121] : memref<10240x128xf32, #tpu.memory_space<vmem_shared>> -> memref<128x128xf32, #tpu.memory_space<vmem_shared>>
      %dma_start3A_123 = arith.constant 0 : i32
      %dma_start3A_124 = arith.constant 0 : i32
      %dma_start3A_125 = tpu.memref_slice %arg7[%dma_start3A_123, %dma_start3A_124] : memref<128x128xf32, #tpu.memory_space<vmem>> -> memref<128x128xf32, #tpu.memory_space<vmem>>
      %dma_start3A_126 = arith.constant 0 : i32
      %dma_start3A_127 = tpu.memref_slice %arg9[%add3A_116, %dma_start3A_126] : memref<10240x128xf32, #tpu.memory_space<vmem_shared>> -> memref<128x128xf32, #tpu.memory_space<vmem_shared>>
      tpu.enqueue_dma source(%dma_start3A_127 : memref<128x128xf32, #tpu.memory_space<vmem_shared>>) target(%dma_start3A_125 : memref<128x128xf32, #tpu.memory_space<vmem>>) target_semaphore(%run_scoped3A_117 : memref<!tpu.dma_semaphore, #tpu.memory_space<semaphore_mem>>)
      %dma_wait3A = arith.constant 0 : i32
      %dma_wait3A_128 = arith.constant 0 : i32
      %dma_wait3A_129 = tpu.memref_slice %arg7[%dma_wait3A, %dma_wait3A_128] : memref<128x128xf32, #tpu.memory_space<vmem>> -> memref<128x128xf32, #tpu.memory_space<vmem>>
      %dma_wait3A_130 = arith.constant 0 : i32
      %dma_wait3A_131 = tpu.memref_slice %arg9[%add3A_116, %dma_wait3A_130] : memref<10240x128xf32, #tpu.memory_space<vmem_shared>> -> memref<128x128xf32, #tpu.memory_space<vmem_shared>>
      %dma_wait3A_132 = arith.constant 0 : i32
      %dma_wait3A_133 = arith.constant 0 : i32
      %dma_wait3A_134 = tpu.memref_slice %arg7[%dma_wait3A_132, %dma_wait3A_133] : memref<128x128xf32, #tpu.memory_space<vmem>> -> memref<128x128xf32, #tpu.memory_space<vmem>>
      %dma_wait3A_135 = arith.constant 0 : i32
      %dma_wait3A_136 = tpu.memref_slice %arg9[%add3A_116, %dma_wait3A_135] : memref<10240x128xf32, #tpu.memory_space<vmem_shared>> -> memref<128x128xf32, #tpu.memory_space<vmem_shared>>
      tpu.wait_dma2 semaphore(%run_scoped3A_117 : memref<!tpu.dma_semaphore, #tpu.memory_space<semaphore_mem>>) src(%dma_wait3A_136 : memref<128x128xf32, #tpu.memory_space<vmem_shared>>) dst(%dma_wait3A_134 : memref<128x128xf32, #tpu.memory_space<vmem>>)
      tpu.yield
    }) : () -> ()
    "tpu.region"() ({
      %run_scoped3A_117 = tpu.sem_alloc : memref<!tpu.dma_semaphore, #tpu.memory_space<semaphore_mem>>
      %dma_start3A_118 = arith.constant 0 : i32
      %dma_start3A_119 = arith.constant 0 : i32
      %dma_start3A_120 = tpu.memref_slice %arg7[%dma_start3A_118, %dma_start3A_119] : memref<128x128xf32, #tpu.memory_space<vmem>> -> memref<128x128xf32, #tpu.memory_space<vmem>>
      %dma_start3A_121 = arith.constant 0 : i32
      %dma_start3A_122 = arith.constant 0 : i32
      %dma_start3A_123 = tpu.memref_slice %arg4[%arg0, %dma_start3A_121, %dma_start3A_122] : memref<2x10240x128xf32, #tpu.memory_space<hbm>> -> memref<1x10240x128xf32, #tpu.memory_space<hbm>>
      %dma_start3A_124 = tpu.memref_squeeze %dma_start3A_123 : memref<1x10240x128xf32, #tpu.memory_space<hbm>> -> memref<10240x128xf32, #tpu.memory_space<hbm>>
      %dma_start3A_125 = arith.constant 0 : i32
      %dma_start3A_126 = tpu.memref_slice %dma_start3A_124[%add3A_116, %dma_start3A_125] : memref<10240x128xf32, #tpu.memory_space<hbm>> -> memref<128x128xf32, #tpu.memory_space<hbm>>
      %dma_start3A_127 = arith.constant 0 : i32
      %dma_start3A_128 = arith.constant 0 : i32
      %dma_start3A_129 = tpu.memref_slice %arg4[%arg0, %dma_start3A_127, %dma_start3A_128] : memref<2x10240x128xf32, #tpu.memory_space<hbm>> -> memref<1x10240x128xf32, #tpu.memory_space<hbm>>
      %dma_start3A_130 = tpu.memref_squeeze %dma_start3A_129 : memref<1x10240x128xf32, #tpu.memory_space<hbm>> -> memref<10240x128xf32, #tpu.memory_space<hbm>>
      %dma_start3A_131 = arith.constant 0 : i32
      %dma_start3A_132 = tpu.memref_slice %dma_start3A_130[%add3A_116, %dma_start3A_131] : memref<10240x128xf32, #tpu.memory_space<hbm>> -> memref<128x128xf32, #tpu.memory_space<hbm>>
      %dma_start3A_133 = arith.constant 0 : i32
      %dma_start3A_134 = arith.constant 0 : i32
      %dma_start3A_135 = tpu.memref_slice %arg7[%dma_start3A_133, %dma_start3A_134] : memref<128x128xf32, #tpu.memory_space<vmem>> -> memref<128x128xf32, #tpu.memory_space<vmem>>
      tpu.enqueue_dma source(%dma_start3A_135 : memref<128x128xf32, #tpu.memory_space<vmem>>) target(%dma_start3A_132 : memref<128x128xf32, #tpu.memory_space<hbm>>) target_semaphore(%run_scoped3A_117 : memref<!tpu.dma_semaphore, #tpu.memory_space<semaphore_mem>>)
      %dma_wait3A = arith.constant 0 : i32
      %dma_wait3A_136 = arith.constant 0 : i32
      %dma_wait3A_137 = tpu.memref_slice %arg7[%dma_wait3A, %dma_wait3A_136] : memref<128x128xf32, #tpu.memory_space<vmem>> -> memref<128x128xf32, #tpu.memory_space<vmem>>
      %dma_wait3A_138 = arith.constant 0 : i32
      %dma_wait3A_139 = arith.constant 0 : i32
      %dma_wait3A_140 = tpu.memref_slice %arg4[%arg0, %dma_wait3A_138, %dma_wait3A_139] : memref<2x10240x128xf32, #tpu.memory_space<hbm>> -> memref<1x10240x128xf32, #tpu.memory_space<hbm>>
      %dma_wait3A_141 = tpu.memref_squeeze %dma_wait3A_140 : memref<1x10240x128xf32, #tpu.memory_space<hbm>> -> memref<10240x128xf32, #tpu.memory_space<hbm>>
      %dma_wait3A_142 = arith.constant 0 : i32
      %dma_wait3A_143 = tpu.memref_slice %dma_wait3A_141[%add3A_116, %dma_wait3A_142] : memref<10240x128xf32, #tpu.memory_space<hbm>> -> memref<128x128xf32, #tpu.memory_space<hbm>>
      %dma_wait3A_144 = arith.constant 0 : i32
      %dma_wait3A_145 = arith.constant 0 : i32
      %dma_wait3A_146 = tpu.memref_slice %arg4[%arg0, %dma_wait3A_144, %dma_wait3A_145] : memref<2x10240x128xf32, #tpu.memory_space<hbm>> -> memref<1x10240x128xf32, #tpu.memory_space<hbm>>
      %dma_wait3A_147 = tpu.memref_squeeze %dma_wait3A_146 : memref<1x10240x128xf32, #tpu.memory_space<hbm>> -> memref<10240x128xf32, #tpu.memory_space<hbm>>
      %dma_wait3A_148 = arith.constant 0 : i32
      %dma_wait3A_149 = tpu.memref_slice %dma_wait3A_147[%add3A_116, %dma_wait3A_148] : memref<10240x128xf32, #tpu.memory_space<hbm>> -> memref<128x128xf32, #tpu.memory_space<hbm>>
      %dma_wait3A_150 = arith.constant 0 : i32
      %dma_wait3A_151 = arith.constant 0 : i32
      %dma_wait3A_152 = tpu.memref_slice %arg7[%dma_wait3A_150, %dma_wait3A_151] : memref<128x128xf32, #tpu.memory_space<vmem>> -> memref<128x128xf32, #tpu.memory_space<vmem>>
      tpu.wait_dma2 semaphore(%run_scoped3A_117 : memref<!tpu.dma_semaphore, #tpu.memory_space<semaphore_mem>>) src(%dma_wait3A_152 : memref<128x128xf32, #tpu.memory_space<vmem>>) dst(%dma_wait3A_149 : memref<128x128xf32, #tpu.memory_space<hbm>>)
      tpu.yield
    }) : () -> ()
    "tpu.trace_stop"() : () -> ()
    return
  }
}

module attributes {stable_mosaic.version = 14 : i64} {
  func.func @mm(%arg0: i32, %arg1: memref<2x2000x128xf32, #tpu.memory_space<vmem>>, %arg2: memref<128x128xf32, #tpu.memory_space<vmem>>, %arg3: memref<1x128xf32, #tpu.memory_space<vmem>>, %arg4: memref<2000x128xf32, #tpu.memory_space<vmem>>) attributes {dimension_semantics = [#tpu.dimension_semantics<arbitrary>], iteration_bounds = array<i64: 5>, scalar_prefetch = 0 : i64, scratch_operands = 0 : i64, tpu.core_type = #tpu.core_type<tc>, window_params = [{transform_indices = @transform_0, window_bounds = array<i64: 2, 2000, 128>}, {pipeline_mode = #tpu.pipeline_mode<synchronous>, transform_indices = @transform_1, window_bounds = array<i64: 128, 128>}, {pipeline_mode = #tpu.pipeline_mode<synchronous>, transform_indices = @transform_2, window_bounds = array<i64: 1, 128>}, {transform_indices = @transform_3, window_bounds = array<i64: 2000, 128>}]} {
    %get3A = arith.constant 0 : index
    %get3A_0 = arith.constant 0 : index
    %get3A_1 = arith.constant 0 : index
    %get3A_2 = vector.load %arg1[%get3A, %get3A_0, %get3A_1] : memref<2x2000x128xf32, #tpu.memory_space<vmem>>, vector<1x2000x128xf32>
    %get3A_3 = vector.shape_cast %get3A_2 : vector<1x2000x128xf32> to vector<2000x128xf32>
    %get3A_4 = arith.constant 1 : index
    %get3A_5 = arith.constant 0 : index
    %get3A_6 = arith.constant 0 : index
    %get3A_7 = vector.load %arg1[%get3A_4, %get3A_5, %get3A_6] : memref<2x2000x128xf32, #tpu.memory_space<vmem>>, vector<1x2000x128xf32>
    %get3A_8 = vector.shape_cast %get3A_7 : vector<1x2000x128xf32> to vector<2000x128xf32>
    %add3A = arith.addf %get3A_3, %get3A_8 : vector<2000x128xf32>
    %get3A_9 = arith.constant 0 : index
    %get3A_10 = arith.constant 0 : index
    %get3A_11 = vector.load %arg2[%get3A_9, %get3A_10] : memref<128x128xf32, #tpu.memory_space<vmem>>, vector<128x128xf32>
    %dot_general3A = arith.constant dense<0.000000e+00> : vector<2000x128xf32>
    %dot_general3A_12 = tpu.matmul %add3A, %get3A_11, %dot_general3A {dimension_numbers = #tpu.dot_dimension_numbers<[1], [1], [0], [0], [0, 0, 1, 0], [], []>, transpose_lhs_hint = false} : vector<2000x128xf32>, vector<128x128xf32>, vector<2000x128xf32> -> vector<2000x128xf32>
    %get3A_13 = arith.constant 0 : index
    %get3A_14 = arith.constant 0 : index
    %get3A_15 = vector.load %arg3[%get3A_13, %get3A_14] : memref<1x128xf32, #tpu.memory_space<vmem>>, vector<1x128xf32>
    %add3A_16 = vector.broadcast %get3A_15 : vector<1x128xf32> to vector<2000x128xf32>
    %add3A_17 = arith.addf %dot_general3A_12, %add3A_16 : vector<2000x128xf32>
    %ge3A = arith.constant 0.000000e+00 : f32
    %ge3A_18 = vector.broadcast %ge3A : f32 to vector<2000x128xf32>
    %ge3A_19 = arith.cmpf oge, %add3A_17, %ge3A_18 : vector<2000x128xf32>
    %mul3A = arith.constant 0.00999999977 : f32
    %mul3A_20 = vector.broadcast %mul3A : f32 to vector<2000x128xf32>
    %mul3A_21 = arith.mulf %mul3A_20, %add3A_17 : vector<2000x128xf32>
    %select_n3A = arith.select %ge3A_19, %add3A_17, %mul3A_21 : vector<2000x128xi1>, vector<2000x128xf32>
    %swap3A = arith.constant 0 : index
    %swap3A_22 = arith.constant 0 : index
    %swap3A_23 = vector.load %arg4[%swap3A, %swap3A_22] : memref<2000x128xf32, #tpu.memory_space<vmem>>, vector<2000x128xf32>
    tpu.vector_store %arg4[%swap3A, %swap3A_22], %select_n3A {strides = array<i32>} : memref<2000x128xf32, #tpu.memory_space<vmem>>, vector<2000x128xf32>,
    return
  }
  func.func @transform_0(%arg0: i32) -> (i32, i32, i32) {
    %c0_i32 = arith.constant 0 : i32
    %c0_i32_0 = arith.constant 0 : i32
    %c0_i32_1 = arith.constant 0 : i32
    return %c0_i32, %arg0, %c0_i32_0 : i32, i32, i32
  }
  func.func @transform_1(%arg0: i32) -> (i32, i32) {
    %c0_i32 = arith.constant 0 : i32
    %c0_i32_0 = arith.constant 0 : i32
    %c0_i32_1 = arith.constant 0 : i32
    return %c0_i32, %c0_i32_0 : i32, i32
  }
  func.func @transform_2(%arg0: i32) -> (i32, i32) {
    %c0_i32 = arith.constant 0 : i32
    %c0_i32_0 = arith.constant 0 : i32
    %c0_i32_1 = arith.constant 0 : i32
    return %c0_i32, %c0_i32_0 : i32, i32
  }
  func.func @transform_3(%arg0: i32) -> (i32, i32) {
    %c0_i32 = arith.constant 0 : i32
    %c0_i32_0 = arith.constant 0 : i32
    return %arg0, %c0_i32 : i32, i32
  }
}

</mosaic_0001>

<sc_bundles>
// kernel: kernel.4.cloned.1.call-start
scs
__scs_entry_jumppad:
0x0: {  	(pc) =	sbr.rel $0x88, $3  }
0x1: {  	(tag) =	ssettag $0x0;
	lr =	simm.s32 $0x1  }
0x2: {  	[smem:$0x3F9D] =	sst lr;
	_ =	strace $0xD0000000  }
0x3: {  	_ = 	snop  }
0x4: {  	_ = 	snop  }
0x5: {  	_ = 	snop  }
0x6: {  	_ = 	snop  }
0x7: {  	_ = 	snop  }
__scs_overlays_trampoline_lowered:
0x8: {  	[smem:$0x3FAC] =	sst s0  }
0x9: {  	[smem:$0x3FAD] =	sst s1  }
0xa: {  	[smem:$0x3FAE] =	sst s2  }
0xb: {  	[smem:$0x3FAF] =	sst s3  }
0xc: {  	[smem:$0x3FB0] =	sst s4  }
0xd: {  	[smem:$0x3FB1] =	sst s5  }
0xe: {  	[smem:$0x3FB2] =	sst s6  }
0xf: {  	[smem:$0x3FB3] =	sst s7  }
0x10: {  	[smem:$0x3FB4] =	sst s8  }
0x11: {  	[smem:$0x3FB5] =	sst s9;
	s0 =	simm.s32 @!p0 $0x0  }
0x12: {  	s1 =	sld [smem:$0x3F9B];
	s0 =	simm.s32 @p0 $0x1  }
0x13: {  	[smem:$0x3FB6] =	sst s0;
	s0 =	simm.s32 @!p1 $0x0  }
0x14: {  	s2 =	sld [smem:$0x3F9A];
	s0 =	simm.s32 @p1 $0x1  }
0x15: {  	[smem:$0x3FB7] =	sst s0;
	s0 =	simm.s32 @!p2 $0x0  }
0x16: {  	s3 =	sld [smem:$0x3FDB];
	s0 =	simm.s32 @p2 $0x1  }
0x17: {  	s4 =	simm.s32 $0x1BF5;
	[smem:$0x3FB9] =	sst s0  }
0x18: {  	s0 =	sld [smem:$0x3F9C];
	_ =	swait.ge [sflag:s4], $0x0  }
0x19: {  	s7 =	sld [smem:$0x3F9D]  }
0x1a: {  	s8 =	sadd.s32 $0xFFFFE003, lr  }
0x1b: {  	s9 =	sadd.s32 $0xFFFFFEF7, lr;
	s5 =	simm.s32 $0xFFFFFFFF;
	p2 =	slt.u32 s8, $0xFFFFF086  }
0x1c: {  	p1 =	slt.u32 s9, $0xF7A;
	s5 =	simm.s32 @!p2 $0x0  }
0x1d: {  	s5 =	simm.s32 @p1 $0x1;
	p0 =	seq.s32 s7, s2  }
0x1e: {  	s7 =	smul.u32 @!p0 $0xF7A, s2;
	p2 =	seq.s32 @!p0 s5, $0x0  }
0x1f: {  	s9 =	smul.u32 $0xF7A, s1;
	s8 =	simm.s32 @!p0 $0x1BF5;
	p2 =	por !p2, p0  }
0x20: {  	[sflag:s8] =	ssyncset.s32 @!p0 $0xFFFFF086;
	s6 =	sadd.s32 @!p0 s3, s7;
	s7 =	simm.s32 @!p0 $0x108  }
0x21: {  	s3 =	sadd.s32 s3, s9;
	s6 =	sadd.s32 @!p0 $0x88, s6;
	s7 =	simm.s32 @p2 $0x1082  }
0x22: {  	[simem:s7], [sflag:s8] =	dma.local @!p0 [hbm:s6], $0xF7A  }
0x23: {  	s9 =	sor.u32 $0xD0000000, s2;
	s6 =	simm.s32 $0x108;
	_ =	swait.ge @!p0 [sflag:s8], $0x0  }
0x24: {  	s3 =	sadd.s32 $0x88, s3;
	s6 =	simm.s32 @!p1 $0x1082;
	[sflag:s4] =	ssyncset.s32 $0xFFFFF086  }
0x25: {  	[simem:s6], [sflag:s4] =	dma.local [hbm:s3], $0xF7A  }
0x26: {  	[smem:$0x3F9D] =	sst s1;
	(tag) =	ssettag s2;
	_ =	strace s9  }
0x27: {  	s1 =	sld [smem:$0x3FAD]  }
0x28: {  	s2 =	sld [smem:$0x3FAE]  }
0x29: {  	s4 =	sld [smem:$0x3FB0]  }
0x2a: {  	p0 =	seq.s32 s5, $0x0;
	s5 =	sld [smem:$0x3FB1]  }
0x2b: {  	s6 =	sld [smem:$0x3FB2]  }
0x2c: {  	s7 =	sld [smem:$0x3FB3]  }
0x2d: {  	s3 =	simm.s32 $0x108;
	s8 =	sld [smem:$0x3FB4]  }
0x2e: {  	s3 =	simm.s32 @!p0 $0x1082;
	s9 =	sld [smem:$0x3FB5]  }
0x2f: {  	lr =	sadd.s32 s0, s3;
	s0 =	sld [smem:$0x3FAC]  }
0x30: {  	s3 =	sld [smem:$0x3FAF]  }
0x31: {  	[smem:$0x3FB8] =	sst s10  }
0x32: {  	s10 =	sld [smem:$0x3FB6];
	_ =	sdelay $0x3  }
0x33: {  	p0 =	seq.s32 s10, $0x1;
	s10 =	sld [smem:$0x3FB8];
	_ =	sdelay $0x3  }
0x34: {  	[smem:$0x3FB8] =	sst s10  }
0x35: {  	s10 =	sld [smem:$0x3FB7];
	_ =	sdelay $0x3  }
0x36: {  	p1 =	seq.s32 s10, $0x1;
	s10 =	sld [smem:$0x3FB8];
	_ =	sdelay $0x3  }
0x37: {  	[smem:$0x3FB8] =	sst s10  }
0x38: {  	s10 =	sld [smem:$0x3FB9]  }
0x39: {  	_ = 	snop;
	(pc) =	sbr.ind lr, $3  }
0x3a: {  	_ = 	snop  }
0x3b: {  	_ = 	snop  }
0x3c: {  	p2 =	seq.s32 s10, $0x1;
	s10 =	sld [smem:$0x3FB8]  }
0x3d: {  	_ =	shalt  }
0x3e: {  	_ =	shalt  }
0x3f: {  	_ =	shalt  }
0x40: {  	_ =	shalt  }
0x41: {  	_ =	shalt  }
0x42: {  	_ =	shalt  }
0x43: {  	_ =	shalt  }
0x44: {  	_ =	shalt  }
0x45: {  	_ =	shalt  }
0x46: {  	_ =	shalt  }
0x47: {  	_ =	shalt  }
0x48: {  	_ =	shalt  }
0x49: {  	_ =	shalt  }
0x4a: {  	_ =	shalt  }
0x4b: {  	_ =	shalt  }
0x4c: {  	_ =	shalt  }
0x4d: {  	_ =	shalt  }
0x4e: {  	_ =	shalt  }
0x4f: {  	_ =	shalt  }
0x50: {  	_ =	shalt  }
0x51: {  	_ =	shalt  }
0x52: {  	_ =	shalt  }
0x53: {  	_ =	shalt  }
0x54: {  	_ =	shalt  }
0x55: {  	_ =	shalt  }
0x56: {  	_ =	shalt  }
0x57: {  	_ =	shalt  }
0x58: {  	_ =	shalt  }
0x59: {  	_ =	shalt  }
0x5a: {  	_ =	shalt  }
0x5b: {  	_ =	shalt  }
0x5c: {  	_ =	shalt  }
0x5d: {  	_ =	shalt  }
0x5e: {  	_ =	shalt  }
0x5f: {  	_ =	shalt  }
0x60: {  	_ =	shalt  }
0x61: {  	_ =	shalt  }
0x62: {  	_ =	shalt  }
0x63: {  	_ =	shalt  }
0x64: {  	_ =	shalt  }
0x65: {  	_ =	shalt  }
0x66: {  	_ =	shalt  }
0x67: {  	_ =	shalt  }
0x68: {  	_ =	shalt  }
0x69: {  	_ =	shalt  }
0x6a: {  	_ =	shalt  }
0x6b: {  	_ =	shalt  }
0x6c: {  	_ =	shalt  }
0x6d: {  	_ =	shalt  }
0x6e: {  	_ =	shalt  }
0x6f: {  	_ =	shalt  }
0x70: {  	_ =	shalt  }
0x71: {  	_ =	shalt  }
0x72: {  	_ =	shalt  }
0x73: {  	_ =	shalt  }
0x74: {  	_ =	shalt  }
0x75: {  	_ =	shalt  }
0x76: {  	_ =	shalt  }
0x77: {  	_ =	shalt  }
0x78: {  	_ =	shalt  }
0x79: {  	_ =	shalt  }
0x7a: {  	_ =	shalt  }
0x7b: {  	_ =	shalt  }
0x7c: {  	_ =	shalt  }
0x7d: {  	_ =	shalt  }
0x7e: {  	_ =	shalt  }
0x7f: {  	_ =	shalt  }
0x80: {  	_ =	shalt  }
0x81: {  	_ =	shalt  }
0x82: {  	_ =	shalt  }
0x83: {  	_ =	shalt  }
0x84: {  	_ =	shalt  }
0x85: {  	_ =	shalt  }
0x86: {  	_ =	shalt  }
0x87: {  	_ =	shalt  }
.Lfunc_end0:
.L_simem_size_0:
called_computation_lowered:
.L_overlay_start_0:
0x88: {  	s2 =	sld [smem:$0x3FD9]  }
0x89: {  	s3 =	sld [smem:$0x3FFE];
	_ =	sdelay $0x1  }
0x8a: {  	s1 =	srdreg.scid  }
0x8b: {  	s0 =	sand.u32 $0x1, s1  }
0x8c: {  	s17 =	sshll.u32 s0, $0xA;
	s2 =	sadd.s32 s3, s2  }
0x8d: {  	s2 =	sadd.s32 s2, s17  }
0x8e: {  	[smem:$0x3FC4] =	sst s2  }
0x8f: {  	_ = 	snop  }
0x90: {  	s2 =	sld [smem:$0x3FC9]  }
0x91: {  	s18 =	sld [smem:$0x3FD0];
	(tm) =	ssettm $0x1  }
0x92: {  	s4 =	sld [smem:$0x3FFB];
	_ =	sdelay $0x3  }
0x93: {  	_ =	strace s4  }
0x94: {  	s4 =	sld [smem:$0x3FFC];
	_ =	sdelay $0x3  }
0x95: {  	_ =	strace s4  }
0x96: {  	s4 =	sld [smem:$0x3FFD];
	_ =	sdelay $0x3  }
0x97: {  	_ =	strace s4  }
0x98: {  	_ =	strace $0x8FFFFFFF  }
0x99: {  	s19 =	sld [smem:$0x3FDB];
	_ =	sdelay $0x1  }
0x9a: {  	s5 =	simm.s32 $_scs_section_size  }
0x9b: {  	s6 =	simm.s32 $_size__tile_overlayer_lowered;
	s7 =	simm.s32 $_tile_overlayer_lowered  }
0x9c: {  	s22 =	simm.s32 $0x1BFF;
	s21 =	sshll.u32 s7, $0x1;
	s4 =	sadd.s32 s5, s19  }
0x9d: {  	s8 =	simm.s32 $0x0;
	s20 =	sshll.u32 s6, $0x1;
	s6 =	sadd.s32 s21, s4  }
0x9e: {  	[timem:s8], [sflag:s22] =	dma.local [hbm:s6], s20  }
0x9f: {  	_ =	swait.ge [sflag:s22], s20  }
0xa0: {  	s5 =	ssub.s32 $0x0, s20;
	[sflag:s22] =	ssyncset.done $0x0  }
0xa1: {  	[sflag:s22] =	ssyncadd.s32 s5;
	_ =	sdelay $0x1  }
0xa2: {  	s23 =	simm.s32 $0x1B8B  }
0xa3: {  	_ =	swait.ge [sflag:s23], $0x1  }
0xa4: {  	[sflag:s23] =	ssyncset.done $0x0  }
0xa5: {  	s25 =	simm.s32 $0x1B8E;
	s24 =	sld [smem:$0x3FFE];
	[sflag:s23] =	ssyncadd.s32 $0xFFFFFFFF  }
0xa6: {  	s26 =	simm.s32 $execute0_lowered;
	[smem:$0x3FD2] =	sst s25  }
0xa7: {  	s6 =	sshll.u32 s26, $0x1;
	_ =	strace $0x80000046;
	[dreg:$0x1] =	wrdreg $0xFFFFFFFF  }
0xa8: {  	s28 =	simm.s32 $_size_execute0_lowered;
	s4 =	sadd.s32 s4, s6;
	[dreg:$0x0] =	wrdreg $0x0  }
0xa9: {  	s6 =	sshll.u32 s28, $0x1;
	[dreg:$0x2] =	wrdreg s4  }
0xaa: {  	[dreg:$0x3] =	wrdreg s6  }
0xab: {  	[dreg:$0x4] =	wrdreg $0xC0  }
0xac: {  	_ =	task [dreg:s8], $0x5FFFF  }
0xad: {  	[dreg:$0x1] =	wrdreg $0xFFFFFFFF  }
0xae: {  	[dreg:$0x0] =	wrdreg $0x60  }
0xaf: {  	[dreg:$0x2] =	wrdreg s2  }
0xb0: {  	[dreg:$0x3] =	wrdreg s18  }
0xb1: {  	[dreg:$0x4] =	wrdreg s24  }
0xb2: {  	[dreg:$0x5] =	wrdreg $0xA9000  }
0xb3: {  	[dreg:$0x6] =	wrdreg $0x9  }
0xb4: {  	_ =	task.clear_ibuf [dreg:s8], $0x7FFFF;
	_ =	strace $0x90000046  }
0xb5: {  	s29 =	simm.s32 $0x9;
	_ =	strace $0x8000004C  }
0xb6: {  	_ =	swait.ge [sflag:s29], $0x1  }
0xb7: {  	[sflag:s29] =	ssyncadd.s32 $0xFFFFFFFF  }
0xb8: {  	_ =	strace $0x9000004C  }
0xb9: {  	_ =	sfence  }
0xba: {  	s30 =	sld [smem:$0x0];
	_ =	sdelay $0x2  }
0xbb: {  	s31 =	sshll.u32 s1, $0xD;
	s1 =	sshrl.u32 s1, $0x2  }
0xbc: {  	s3 =	sand.u32 $0x4000, s31;
	s1 =	sadd.s32 s1, s30  }
0xbd: {  	s0 =	sor.u32 s3, s0;
	s1 =	sshll.u32 s1, $0x11  }
0xbe: {  	s0 =	sor.u32 s1, s0  }
0xbf: {  	s0 =	sadd.s32 $0x8F2B, s0  }
0xc0: {  	[sflag:s0] =	ssyncadd.remote.s32 $0x1  }
0xc1: {  	_ =	sfence.sel $0xFFFF  }
0xc2: {  	[dreg:$0x0] =	wrdreg $0xFFFFFFFF;
	(pc) =	sbr.abs _section_cstart, $3  }
0xc3: {  	[dreg:$0x1] =	wrdreg $0xFFFFFFFF  }
0xc4: {  	_ =	task.clear_ibuf [dreg:s8], $0x2FFFF;
	_ =	strace $0x9FFFFFFF  }
0xc5: {  	(tm) =	ssettm $0x7FFFFFFF  }
tec
execute0_lowered:
.L_overlay_start_1:
0x0: {  	(tag) =	ssettag $0x1  }
0x1: {  	s1 =	rddreg [dreg:$0x0]  }
0x2: {  	s0 =	rddreg [dreg:$0x1]  }
0x3: {  	s4 =	rddreg [dreg:$0x2]  }
0x4: {  	s2 =	rddreg [dreg:$0x3];
	s3 =	simm.s32 $0x0;
	s18 =	stileid.u32  }
0x5: {  	s5 =	srdreg.scid;
	s28 =	simm.s32 $0x1;
	s7 =	smul.u32 $0x280, s18  }
0x6: {  	s29 =	simm.s32 $0x3;
	s30 =	simm.s32 $0x2;
	s8 =	smul.u32 $0x50000, s18  }
0x7: {  	s31 =	simm.s32 $0x4;
	[smem:$0x7FF] =	sst s3;
	s19 =	smul.u32 $0x2800, s18  }
0x8: {  	s11 =	sand.u32 $0x1, s5;
	s21 =	sshll.u32 s18, $0x1;
	s18 =	smul.u32 $0xA00, s18  }
0x9: {  	s5 =	smul.u32 $0x28000, s11;
	_ =	strace $0x80000047;
	s6 =	ssub.s32 $0x2, s11  }
0xa: {  	s9 =	sor.u32 s11, s21;
	s11 =	smul.u32 $0x500, s11;
	s20 =	sshrl.u32 s6, $0x1  }
0xb: {  	s14 =	sadd.s32 $0x80, s7;
	s22 =	sshrl.u32 s8, $0x2;
	s15 =	sadd.s32 $0x100, s7  }
0xc: {  	s16 =	sadd.s32 $0x180, s7;
	s17 =	sadd.s32 $0x200, s7;
	s25 =	smul.u32 $0x500, s9  }
0xd: {  	s4 =	sadd.s32 s5, s4;
	s13 =	ssub.s32 s6, s20;
	s23 =	sshll.u32 s14, $0x7  }
0xe: {  	s5 =	sadd.s32 s22, s2;
	s24 =	sshll.u32 s15, $0x7;
	s10 =	sshll.u32 s16, $0x7  }
0xf: {  	s12 =	sshll.u32 s17, $0x7;
	s20 =	sshll.u32 s14, $0x4;
	s21 =	sshll.u32 s15, $0x4  }
0x10: {  	s22 =	sshll.u32 s16, $0x4;
	s14 =	sadd.s32 s11, s18;
	s15 =	simm.s32 $0x2900  }
0x11: {  	s16 =	simm.s32 $0x5;
	s18 =	simm.s32 $0x6900;
	s6 =	sadd.s32 s23, s2  }
0x12: {  	s8 =	sadd.s32 s24, s2;
	s9 =	sadd.s32 s10, s2;
	s10 =	sadd.s32 s12, s2  }
0x13: {  	s26 =	sadd.s32 s0, s25;
	s12 =	sadd.s32 $0xA000, s0;
	[dreg:$0x5] =	wrdreg s25  }
0x14: {  	s25 =	sor.u32 $0x10, s25;
	s4 =	sadd.s32 $0xA00, s4;
	s23 =	sshll.u32 s17, $0x4  }
0x15: {  	s24 =	smax.u32 s13, $0x1;
	s17 =	simm.s32 $0x80;
	[dreg:$0x6] =	wrdreg s26  }
0x16: {  	[dreg:$0x7] =	wrdreg s24;
	s0 =	sadd.s32 s19, s4;
	s26 =	sadd.s32 s20, s4  }
0x17: {  	s21 =	sadd.s32 s21, s4;
	s22 =	sadd.s32 s22, s4;
	s23 =	sadd.s32 s23, s4  }
0x18: {  	s24 =	simm.s32 $0x2800;
	s25 =	sadd.s32 s12, s25;
	[dreg:$0x8] =	wrdreg s0  }
0x19: {  	v0 =	vimm.f32 $0.0e+00;
	[dreg:$0x9] =	wrdreg s26;
	s26 =	simm.s32 $0x2880;
	s0 =	simm.s32 $0x0  }
.LBB2_1:
0x1a: {  	_ =	strace $0x80000048;
	s4 =	simm.s32 $0x0;
	s11 =	simm.s32 $0x200  }
.LBB2_2:
0x1b: {  	p0 =	sne.s32 s11, $0xFE00;
	[tilespmem:s4+$0x2970] =	vst v0  }
0x1c: {  	[tilespmem:s4+$0x2900] =	vst v0  }
0x1d: {  	[tilespmem:s4+$0x2910] =	vst v0  }
.Ltmp0:
0x1e: {  	[tilespmem:s4+$0x2920] =	vst v0;
	(pc) =	sbr.rel @p0 .LBB2_2-.Ltmp0, $4  }
0x1f: {  	[tilespmem:s4+$0x2930] =	vst v0  }
0x20: {  	[tilespmem:s4+$0x2940] =	vst v0  }
0x21: {  	[tilespmem:s4+$0x2950] =	vst v0  }
0x22: {  	[tilespmem:s4+$0x2960] =	vst v0;
	s4 =	sshra.s32 s11, $0x2;
	s11 =	sadd.s32 $0x200, s11  }
0x23: {  	[tilespmem:s4+$0x2970] =	vst v0  }
0x24: {  	[tilespmem:s4+$0x2900] =	vst v0  }
0x25: {  	[tilespmem:s4+$0x2910] =	vst v0  }
0x26: {  	[tilespmem:s4+$0x2920] =	vst v0  }
0x27: {  	[tilespmem:s4+$0x2930] =	vst v0  }
0x28: {  	[tilespmem:s4+$0x2940] =	vst v0  }
0x29: {  	[tilespmem:s4+$0x2950] =	vst v0  }
0x2a: {  	[tilespmem:s4+$0x2960] =	vst v0  }
0x2b: {  	[spmem:s5] =	stream.linear.scatter [tilespmem:s15], [sflag:$0x5], $0x4000, $0x200038;
	[tilespmem:$0x1E900] =	vst v63  }
0x2c: {  	_ =	swait.ge [sflag:s16], $0x4000  }
0x2d: {  	[sflag:s16] =	ssyncset.done $0x0  }
0x2e: {  	[sflag:s16] =	ssyncadd.s32 $0xFFFFC000  }
0x2f: {  	[spmem:s6] =	stream.linear.scatter [tilespmem:s15], [sflag:$0x5], $0x4000, $0x200038;
	[tilespmem:$0x1E900] =	vst v63  }
0x30: {  	_ =	swait.ge [sflag:s16], $0x4000  }
0x31: {  	[sflag:s16] =	ssyncset.done $0x0  }
0x32: {  	[sflag:s16] =	ssyncadd.s32 $0xFFFFC000  }
0x33: {  	[spmem:s8] =	stream.linear.scatter [tilespmem:s15], [sflag:$0x5], $0x4000, $0x200038;
	[tilespmem:$0x1E900] =	vst v63  }
0x34: {  	_ =	swait.ge [sflag:s16], $0x4000  }
0x35: {  	[sflag:s16] =	ssyncset.done $0x0  }
0x36: {  	[sflag:s16] =	ssyncadd.s32 $0xFFFFC000  }
0x37: {  	[spmem:s9] =	stream.linear.scatter [tilespmem:s15], [sflag:$0x5], $0x4000, $0x200038;
	[tilespmem:$0x1E900] =	vst v63  }
0x38: {  	_ =	swait.ge [sflag:s16], $0x4000  }
0x39: {  	[sflag:s16] =	ssyncset.done $0x0  }
0x3a: {  	[sflag:s16] =	ssyncadd.s32 $0xFFFFC000  }
0x3b: {  	[spmem:s10] =	stream.linear.scatter [tilespmem:s15], [sflag:$0x5], $0x4000, $0x200038;
	[tilespmem:$0x1E900] =	vst v63  }
0x3c: {  	_ =	swait.ge [sflag:s16], $0x4000  }
0x3d: {  	[sflag:s16] =	ssyncset.done $0x0  }
0x3e: {  	[sflag:s16] =	ssyncadd.s32 $0xFFFFC000  }
0x3f: {  	_ =	strace $0x90000048  }
0x40: {  	_ =	strace $0x80000049  }
0x41: {  	s11 =	rddreg [dreg:$0x6]  }
0x42: {  	[tilespmem:s3], [sflag:$0x5] =	stream.linear.gather [hbm4b:s11+s3], $0x2800, $0x200038;
	[tilespmem:$0x1E900] =	vst v63  }
0x43: {  	_ =	swait.ge [sflag:s16], $0x2800  }
0x44: {  	[sflag:s16] =	ssyncset.done $0x0  }
0x45: {  	[sflag:s16] =	ssyncadd.s32 $0xFFFFD800  }
0x46: {  	[bflag:$0x0] =	sbarrier.arrive $0xFFFF  }
0x47: {  	_ =	strace $0x90000049  }
0x48: {  	_ =	strace $0x8000004A  }
0x49: {  	[tilespmem:s15], [sflag:$0x1] =	stream.indirect.gather [hbm4b:s1+s17], $0x80, s3, s17, $0x2000b8;
	[tilespmem:$0x1E900] =	vst v63  }
0x4a: {  	s13 =	rddreg [dreg:$0x5]  }
0x4b: {  	[tilespmem:s18], [sflag:$0x2] =	stream.indirect.gather [hbm4b:s1+s17], $0x80, s17, s17, $0x2000b8;
	[tilespmem:$0x1E900] =	vst v63  }
0x4c: {  	s4 =	sadd.s32 s13, s12  }
0x4d: {  	[tilespmem:s24], [sflag:$0x3] =	stream.linear.gather [hbm4b:s4+s3], $0x80, $0x200038;
	[tilespmem:$0x1E900] =	vst v63  }
0x4e: {  	_ = 	snop  }
0x4f: {  	[tilespmem:s26], [sflag:$0x4] =	stream.linear.gather [hbm4b:s25+s3], $0x80, $0x200038;
	[tilespmem:$0x1E900] =	vst v63  }
0x50: {  	_ =	swait.ge [sflag:s28], $0x4000  }
0x51: {  	[sflag:s28] =	ssyncset.done $0x0  }
0x52: {  	[sflag:s28] =	ssyncadd.s32 $0xFFFFC000  }
0x53: {  	_ =	swait.ge [sflag:s29], $0x80  }
0x54: {  	[sflag:s29] =	ssyncset.done $0x0  }
0x55: {  	s11 =	sadd.s32 $0x30, s14;
	[sflag:s29] =	ssyncadd.s32 $0xFFFFFF80  }
0x56: {  	[spmem:s2] =	stream.indirect.scatter.add.f32 [tilespmem:s15], [sflag:$0x5], $0x80, s24, s17, $0x2000b8;
	[tilespmem:$0x1E900] =	vst v63  }
0x57: {  	s7 =	sadd.s32 $0xFFFFFFF0, s11;
	s13 =	simm.s32 $0x20;
	_ =	swait.ge [sflag:s16], $0x4000  }
0x58: {  	s7 =	sand.u32 $0xFFFFF80, s7;
	s13 =	sand.u32 $0x60, s13;
	[sflag:s16] =	ssyncset.done $0x0  }
0x59: {  	s13 =	sadd.s32 s12, s13;
	s4 =	simm.s32 $0x100;
	[sflag:s16] =	ssyncadd.s32 $0xFFFFC000  }
0x5a: {  	[tilespmem:s15], [sflag:$0x1] =	stream.indirect.gather [hbm4b:s1+s17], $0x80, s4, s17, $0x2000b8;
	[tilespmem:$0x1E900] =	vst v63  }
0x5b: {  	s7 =	sadd.s32 s7, s13  }
0x5c: {  	[tilespmem:s24], [sflag:$0x3] =	stream.linear.gather [hbm4b:s7+s3], $0x80, $0x200038;
	[tilespmem:$0x1E900] =	vst v63  }
0x5d: {  	_ =	swait.ge [sflag:s30], $0x4000  }
0x5e: {  	[sflag:s30] =	ssyncset.done $0x0  }
0x5f: {  	[sflag:s30] =	ssyncadd.s32 $0xFFFFC000  }
0x60: {  	_ =	swait.ge [sflag:s31], $0x80  }
0x61: {  	[sflag:s31] =	ssyncset.done $0x0  }
0x62: {  	s20 =	simm.s32 $0x30;
	[sflag:s31] =	ssyncadd.s32 $0xFFFFFF80  }
0x63: {  	[spmem:s2] =	stream.indirect.scatter.add.f32 [tilespmem:s18], [sflag:$0x5], $0x80, s26, s17, $0x2000b8;
	[tilespmem:$0x1E900] =	vst v63  }
0x64: {  	s19 =	simm.s32 $0x180;
	s7 =	sand.u32 $0x70, s20;
	_ =	swait.ge [sflag:s16], $0x4000  }
0x65: {  	s11 =	sand.u32 $0xFFFFF80, s11;
	s7 =	sadd.s32 s12, s7;
	[sflag:s16] =	ssyncset.done $0x0  }
0x66: {  	s13 =	sadd.s32 s11, s7;
	s11 =	simm.s32 $0x50;
	[sflag:s16] =	ssyncadd.s32 $0xFFFFC000  }
0x67: {  	[tilespmem:s18], [sflag:$0x2] =	stream.indirect.gather [hbm4b:s1+s17], $0x80, s19, s17, $0x2000b8;
	[tilespmem:$0x1E900] =	vst v63  }
.LBB2_4:
0x68: {  	p0 =	sne.s32 s11, $0x4F0  }
0x69: {  	s4 =	sadd.s32 $0x100, s4;
	s7 =	smov.u32 s11;
	s11 =	sadd.s32 $0x20, s11  }
0x6a: {  	[tilespmem:s26], [sflag:$0x4] =	stream.linear.gather [hbm4b:s13+s3], $0x80, $0x200038;
	[tilespmem:$0x1E900] =	vst v63  }
0x6b: {  	_ =	swait.ge [sflag:s28], $0x4000  }
0x6c: {  	[sflag:s28] =	ssyncset.done $0x0  }
0x6d: {  	[sflag:s28] =	ssyncadd.s32 $0xFFFFC000  }
0x6e: {  	_ =	swait.ge [sflag:s29], $0x80  }
0x6f: {  	[sflag:s29] =	ssyncset.done $0x0  }
0x70: {  	[sflag:s29] =	ssyncadd.s32 $0xFFFFFF80  }
0x71: {  	[spmem:s2] =	stream.indirect.scatter.add.f32 [tilespmem:s15], [sflag:$0x5], $0x80, s24, s17, $0x2000b8;
	[tilespmem:$0x1E900] =	vst v63  }
0x72: {  	_ =	swait.ge [sflag:s16], $0x4000  }
0x73: {  	s13 =	sadd.s32 s7, s14;
	s19 =	sadd.s32 $0xFFFFFFF0, s7;
	[sflag:s16] =	ssyncset.done $0x0  }
0x74: {  	s20 =	sadd.s32 $0xFFFFFFF0, s13;
	s19 =	sand.u32 $0x60, s19;
	[sflag:s16] =	ssyncadd.s32 $0xFFFFC000  }
0x75: {  	s13 =	sand.u32 $0xFFFFF80, s13;
	s20 =	sand.u32 $0xFFFFF80, s20;
	s19 =	sadd.s32 s12, s19  }
0x76: {  	[tilespmem:s15], [sflag:$0x1] =	stream.indirect.gather [hbm4b:s1+s17], $0x80, s4, s17, $0x2000b8;
	[tilespmem:$0x1E900] =	vst v63  }
0x77: {  	s19 =	sadd.s32 s20, s19  }
0x78: {  	[tilespmem:s24], [sflag:$0x3] =	stream.linear.gather [hbm4b:s19+s3], $0x80, $0x200038;
	[tilespmem:$0x1E900] =	vst v63  }
0x79: {  	_ =	swait.ge [sflag:s30], $0x4000  }
0x7a: {  	[sflag:s30] =	ssyncset.done $0x0  }
0x7b: {  	[sflag:s30] =	ssyncadd.s32 $0xFFFFC000  }
0x7c: {  	_ =	swait.ge [sflag:s31], $0x80  }
0x7d: {  	[sflag:s31] =	ssyncset.done $0x0  }
0x7e: {  	[sflag:s31] =	ssyncadd.s32 $0xFFFFFF80  }
0x7f: {  	[spmem:s2] =	stream.indirect.scatter.add.f32 [tilespmem:s18], [sflag:$0x5], $0x80, s26, s17, $0x2000b8;
	[tilespmem:$0x1E900] =	vst v63  }
.Ltmp1:
0x80: {  	_ = 	snop;
	(pc) =	sbr.rel @p0 .LBB2_4-.Ltmp1, $4  }
0x81: {  	s7 =	sand.u32 $0x70, s7;
	_ =	swait.ge [sflag:s16], $0x4000  }
0x82: {  	s7 =	sadd.s32 s12, s7;
	s19 =	sadd.s32 $0x80, s4;
	[sflag:s16] =	ssyncset.done $0x0  }
0x83: {  	s13 =	sadd.s32 s13, s7;
	[sflag:s16] =	ssyncadd.s32 $0xFFFFC000  }
0x84: {  	[tilespmem:s18], [sflag:$0x2] =	stream.indirect.gather [hbm4b:s1+s17], $0x80, s19, s17, $0x2000b8;
	[tilespmem:$0x1E900] =	vst v63  }
0x85: {  	[tilespmem:s26], [sflag:$0x4] =	stream.linear.gather [hbm4b:s13+s3], $0x80, $0x200038;
	[tilespmem:$0x1E900] =	vst v63  }
0x86: {  	_ =	swait.ge [sflag:s28], $0x4000  }
0x87: {  	[sflag:s28] =	ssyncset.done $0x0  }
0x88: {  	[sflag:s28] =	ssyncadd.s32 $0xFFFFC000  }
0x89: {  	_ =	swait.ge [sflag:s29], $0x80  }
0x8a: {  	[sflag:s29] =	ssyncset.done $0x0  }
0x8b: {  	[sflag:s29] =	ssyncadd.s32 $0xFFFFFF80  }
0x8c: {  	[spmem:s2] =	stream.indirect.scatter.add.f32 [tilespmem:s15], [sflag:$0x5], $0x80, s24, s17, $0x2000b8;
	[tilespmem:$0x1E900] =	vst v63  }
0x8d: {  	_ =	swait.ge [sflag:s16], $0x4000  }
0x8e: {  	[sflag:s16] =	ssyncset.done $0x0  }
0x8f: {  	[sflag:s16] =	ssyncadd.s32 $0xFFFFC000  }
0x90: {  	_ =	swait.ge [sflag:s30], $0x4000  }
0x91: {  	[sflag:s30] =	ssyncset.done $0x0  }
0x92: {  	[sflag:s30] =	ssyncadd.s32 $0xFFFFC000  }
0x93: {  	_ =	swait.ge [sflag:s31], $0x80  }
0x94: {  	[sflag:s31] =	ssyncset.done $0x0  }
0x95: {  	[sflag:s31] =	ssyncadd.s32 $0xFFFFFF80  }
0x96: {  	[spmem:s2] =	stream.indirect.scatter.add.f32 [tilespmem:s18], [sflag:$0x5], $0x80, s26, s17, $0x2000b8;
	[tilespmem:$0x1E900] =	vst v63  }
0x97: {  	_ =	swait.ge [sflag:s16], $0x4000  }
0x98: {  	[sflag:s16] =	ssyncset.done $0x0  }
0x99: {  	[sflag:s16] =	ssyncadd.s32 $0xFFFFC000  }
0x9a: {  	[bflag:$0x0] =	sbarrier.arrive $0xFFFF  }
0x9b: {  	_ =	strace $0x9000004A  }
0x9c: {  	_ =	strace $0x8000004B  }
0x9d: {  	[tilespmem:s15], [sflag:$0x5] =	stream.linear.gather [spmem:s5], $0x4000, $0x200038;
	[tilespmem:$0x1E900] =	vst v63  }
0x9e: {  	_ =	swait.ge [sflag:s16], $0x4000  }
0x9f: {  	[sflag:s16] =	ssyncset.done $0x0  }
0xa0: {  	s4 =	rddreg [dreg:$0x8];
	[sflag:s16] =	ssyncadd.s32 $0xFFFFC000  }
0xa1: {  	[hbm4b:s4+s3] =	stream.linear.scatter [tilespmem:s15], [sflag:$0x5], $0x4000, $0x200038;
	[tilespmem:$0x1E900] =	vst v63  }
0xa2: {  	_ =	swait.ge [sflag:s16], $0x4000  }
0xa3: {  	[sflag:s16] =	ssyncset.done $0x0  }
0xa4: {  	[sflag:s16] =	ssyncadd.s32 $0xFFFFC000  }
0xa5: {  	[tilespmem:s15], [sflag:$0x5] =	stream.linear.gather [spmem:s6], $0x4000, $0x200038;
	[tilespmem:$0x1E900] =	vst v63  }
0xa6: {  	_ =	swait.ge [sflag:s16], $0x4000  }
0xa7: {  	[sflag:s16] =	ssyncset.done $0x0  }
0xa8: {  	s19 =	rddreg [dreg:$0x9];
	[sflag:s16] =	ssyncadd.s32 $0xFFFFC000  }
0xa9: {  	[hbm4b:s19+s3] =	stream.linear.scatter [tilespmem:s15], [sflag:$0x5], $0x4000, $0x200038;
	[tilespmem:$0x1E900] =	vst v63  }
0xaa: {  	_ =	swait.ge [sflag:s16], $0x4000  }
0xab: {  	[sflag:s16] =	ssyncset.done $0x0  }
0xac: {  	[sflag:s16] =	ssyncadd.s32 $0xFFFFC000  }
0xad: {  	[tilespmem:s15], [sflag:$0x5] =	stream.linear.gather [spmem:s8], $0x4000, $0x200038;
	[tilespmem:$0x1E900] =	vst v63  }
0xae: {  	_ =	swait.ge [sflag:s16], $0x4000  }
0xaf: {  	[sflag:s16] =	ssyncset.done $0x0  }
0xb0: {  	[sflag:s16] =	ssyncadd.s32 $0xFFFFC000  }
0xb1: {  	[hbm4b:s21+s3] =	stream.linear.scatter [tilespmem:s15], [sflag:$0x5], $0x4000, $0x200038;
	[tilespmem:$0x1E900] =	vst v63  }
0xb2: {  	_ =	swait.ge [sflag:s16], $0x4000  }
0xb3: {  	[sflag:s16] =	ssyncset.done $0x0  }
0xb4: {  	[sflag:s16] =	ssyncadd.s32 $0xFFFFC000  }
0xb5: {  	[tilespmem:s15], [sflag:$0x5] =	stream.linear.gather [spmem:s9], $0x4000, $0x200038;
	[tilespmem:$0x1E900] =	vst v63  }
0xb6: {  	_ =	swait.ge [sflag:s16], $0x4000  }
0xb7: {  	[sflag:s16] =	ssyncset.done $0x0  }
0xb8: {  	[sflag:s16] =	ssyncadd.s32 $0xFFFFC000  }
0xb9: {  	[hbm4b:s22+s3] =	stream.linear.scatter [tilespmem:s15], [sflag:$0x5], $0x4000, $0x200038;
	[tilespmem:$0x1E900] =	vst v63  }
0xba: {  	_ =	swait.ge [sflag:s16], $0x4000  }
0xbb: {  	[sflag:s16] =	ssyncset.done $0x0  }
0xbc: {  	[sflag:s16] =	ssyncadd.s32 $0xFFFFC000  }
0xbd: {  	[tilespmem:s15], [sflag:$0x5] =	stream.linear.gather [spmem:s10], $0x4000, $0x200038;
	[tilespmem:$0x1E900] =	vst v63  }
0xbe: {  	_ =	swait.ge [sflag:s16], $0x4000  }
0xbf: {  	[sflag:s16] =	ssyncset.done $0x0  }
0xc0: {  	[sflag:s16] =	ssyncadd.s32 $0xFFFFC000  }
0xc1: {  	[hbm4b:s23+s3] =	stream.linear.scatter [tilespmem:s15], [sflag:$0x5], $0x4000, $0x200038;
	[tilespmem:$0x1E900] =	vst v63  }
0xc2: {  	_ =	swait.ge [sflag:s16], $0x4000  }
0xc3: {  	s0 =	sadd.s32 $0x1, s0;
	s20 =	rddreg [dreg:$0x7]  }
0xc4: {  	p0 =	sne.s32 s0, s20  }
.Ltmp2:
0xc5: {  	_ = 	snop;
	(pc) =	sbr.rel @p0 .LBB2_1-.Ltmp2, $4  }
0xc6: {  	_ = 	snop  }
0xc7: {  	[sflag:s16] =	ssyncset.done $0x0  }
0xc8: {  	[sflag:s16] =	ssyncadd.s32 $0xFFFFC000  }
0xc9: {  	_ =	strace $0x9000004B  }
0xca: {  	_ =	sfence.sel $0x180000  }
0xcb: {  	[bflag:$0x0] =	sbarrier.arrive $0xFFFF  }
0xcc: {  	_ =	strace $0x90000047  }
0xcd: {  	s0 =	stileid.u32;
	[bflag:$0x2] =	sbarrier.arrive $0xFFFF  }
0xce: {  	p0 =	sne.s32 s0, $0x0;
	s0 =	rddreg [dreg:$0x4]  }
0xcf: {  	s0 =	sadd.s32 @!p0 $0x100000, s0  }
0xd0: {  	[sflag:s0] =	ssyncadd.tile.s32 @!p0 $0x1;
	_ =	shalt  }
.Lfunc_end2:
_tile_overlayer_lowered:
.L_overlay_start_2:
0xd1: {  	(tag) =	ssettag $0x2  }
0xd2: {  	s0 =	rddreg [dreg:$0x0];
	s2 =	stileid.u32  }
0xd3: {  	s1 =	rddreg [dreg:$0x1];
	p0 =	sne.s32 s2, $0x0  }
0xd4: {  	s3 =	rddreg [dreg:$0x2];
	[bflag:$0x3] =	sbarrier.arrive $0xFFFF;
	s2 =	simm.s32 @!p0 $0x1C05  }
0xd5: {  	[timem:s3], [sflag:s2] =	dma.local @!p0 [hbm:s0], s1  }
0xd6: {  	s0 =	simm.s32 @!p0 $0x5  }
0xd7: {  	_ =	swait.ge @!p0 [sflag:s0], s1  }
0xd8: {  	s1 =	ssub.s32 @!p0 $0x0, s1;
	[sflag:s0] =	ssyncset.done @!p0 $0x0  }
0xd9: {  	[sflag:s0] =	ssyncadd.s32 @!p0 s1  }
0xda: {  	[bflag:$0x3] =	sbarrier.arrive $0xFFFF  }
0xdb: {  	_ =	shalt  }

</sc_bundles>
